<compile_context>
chip_gen: v7x
topology: tpu7x:2x2x1
jax: 0.10.2.dev20260603
libtpu: 0.0.44.dev20260713+nightly
codegen_flags: <defaults>
</compile_context>

<pallas_src>
import functools
import math

import jax
import jax.numpy as jnp
from jax import lax
from jax.experimental import pallas as pl
from jax.experimental.pallas import tpu as pltpu
from jax.experimental.pallas import tpu_sc as plsc

_NUM_EXPERTS = 16
_TOKENS = 2048
_D_MODEL = 2048
_CAPACITY = max(int(math.ceil(_TOKENS / _NUM_EXPERTS * 1.0 * 2.0)), 4)
_SBLK = 256
_NBLK = _TOKENS // _SBLK

_NC, _NS = 2, 16
_NW = _NC * _NS
_FLAT = _TOKENS * _NUM_EXPERTS * _CAPACITY
_CPW = _FLAT // _NW
_ZCH = 16384
_RPW = 2 * _TOKENS // _NW


def _router_kernel(x_ref, wg_ref, laux_ref, dispatch_ref, idx_ref, val_ref,
                   rt_ref):
    i = pl.program_id(0)
    S, E, C = _TOKENS, _NUM_EXPERTS, _CAPACITY

    @pl.when(i == 0)
    def _gating():
        logits = jnp.dot(x_ref[...], wg_ref[...],
                         preferred_element_type=jnp.float32)
        m = jnp.max(logits, axis=1, keepdims=True)
        p = jnp.exp(logits - m)
        gates = p / jnp.sum(p, axis=1, keepdims=True)

        iota_e = jax.lax.broadcasted_iota(jnp.int32, (S, E), 1)
        e1 = jnp.argmax(gates, axis=1).astype(jnp.int32)
        mask1 = iota_e == e1[:, None]
        gates_m = jnp.where(mask1, -1.0, gates)
        e2 = jnp.argmax(gates_m, axis=1).astype(jnp.int32)
        mask2 = iota_e == e2[:, None]

        m1f = mask1.astype(jnp.float32)
        m2f = mask2.astype(jnp.float32)
        r_iota = jax.lax.broadcasted_iota(jnp.int32, (S, S), 0)
        c_iota = jax.lax.broadcasted_iota(jnp.int32, (S, S), 1)
        tri = (r_iota >= c_iota).astype(jnp.bfloat16)
        m12 = jnp.concatenate([mask1.astype(jnp.bfloat16),
                               mask2.astype(jnp.bfloat16)], axis=1)
        cums = jnp.dot(tri, m12, preferred_element_type=jnp.float32)
        loc1 = cums[:, :E] - 1.0
        cnt1 = cums[S - 1:S, :E]
        loc2 = cums[:, E:] - 1.0 + cnt1

        me = jnp.mean(gates, axis=0, keepdims=True)
        ce = jnp.mean(m1f, axis=0, keepdims=True)
        laux_ref[0, 0] = jnp.sum(me * ce) * jnp.float32(E)

        keep1 = m1f * (loc1 < C).astype(jnp.float32)
        keep2 = m2f * (loc2 < C).astype(jnp.float32)
        c1 = jnp.sum(loc1 * keep1, axis=1, keepdims=True)
        c2 = jnp.sum(loc2 * keep2, axis=1, keepdims=True)
        g1 = jnp.max(gates * keep1, axis=1, keepdims=True)
        g2 = jnp.max(gates * keep2, axis=1, keepdims=True)
        denom = jnp.maximum(g1 + g2, jnp.finfo(jnp.float32).eps)
        w1 = g1 / denom
        w2 = g2 / denom

        e1f = e1[:, None].astype(jnp.float32)
        e2f = e2[:, None].astype(jnp.float32)
        rt_ref[...] = jnp.concatenate(
            [w1, w2, c1, c2, e1f, e2f, jnp.zeros((S, 2), jnp.float32)], axis=1)

        tok = jax.lax.broadcasted_iota(jnp.int32, (S, 1), 0) * (E * C)
        i1 = tok + e1[:, None] * C + c1.astype(jnp.int32)
        i2 = tok + e2[:, None] * C + c2.astype(jnp.int32)
        idx_ref[...] = jnp.concatenate([i1, i2], axis=1)
        val_ref[...] = jnp.concatenate([w1, w2], axis=1)

    rt = rt_ref[pl.ds(i * _SBLK, _SBLK), :]
    w1 = rt[:, 0:1]
    w2 = rt[:, 1:2]
    c1 = rt[:, 2:3]
    c2 = rt[:, 3:4]
    e1 = rt[:, 4:5]
    e2 = rt[:, 5:6]
    iota_e = jax.lax.broadcasted_iota(jnp.int32, (_SBLK, E), 1).astype(jnp.float32)
    iota_c = jax.lax.broadcasted_iota(jnp.int32, (_SBLK, C), 1).astype(jnp.float32)
    we1 = jnp.where((e1 == iota_e) & (w1 > 0.0), 1.0, 0.0)
    we2 = jnp.where((e2 == iota_e) & (w2 > 0.0), 1.0, 0.0)
    ch1 = (c1 == iota_c).astype(jnp.float32)
    ch2 = (c2 == iota_c).astype(jnp.float32)
    dispatch_ref[...] = (we1[:, :, None] * ch1[:, None, :]
                         + we2[:, :, None] * ch2[:, None, :]
                         ).astype(jnp.int8)


_sc_mesh = plsc.VectorSubcoreMesh(core_axis_name="c", subcore_axis_name="s")

_ROWS = _TOKENS * _NUM_EXPERTS
_RPWZ = _ROWS // _NW
_ZROWS = 256


@functools.partial(
    pl.kernel, mesh=_sc_mesh,
    compiler_params=pltpu.CompilerParams(needs_layout_passes=False),
    out_type=jax.ShapeDtypeStruct((_ROWS, _CAPACITY), jnp.float32),
    scratch_types=[pltpu.VMEM((_ZROWS, _CAPACITY), jnp.float32),
                   pltpu.SemaphoreType.DMA],
)
def _sc_zero(out_hbm, zbuf, sem):
    wid = lax.axis_index("s") * _NC + lax.axis_index("c")

    def _z(r, carry):
        for k in range(_CAPACITY // 16):
            zbuf[r, pl.ds(k * 16, 16)] = jnp.zeros((16,), jnp.float32)
        return carry

    lax.fori_loop(0, _ZROWS, _z, 0)
    base = wid * _RPWZ
    copies = [
        pltpu.async_copy(zbuf, out_hbm.at[pl.ds(base + k * _ZROWS, _ZROWS)],
                         sem)
        for k in range(_RPWZ // _ZROWS)
    ]
    for c in copies:
        c.wait()


@functools.partial(
    pl.kernel, mesh=_sc_mesh,
    compiler_params=pltpu.CompilerParams(needs_layout_passes=False),
    out_type=(),
    scratch_types=[pltpu.VMEM((_RPW,), jnp.int32),
                   pltpu.VMEM((_RPW,), jnp.float32),
                   pltpu.VMEM((_RPW,), jnp.int32),
                   pltpu.VMEM((_RPW, _CAPACITY), jnp.float32),
                   pltpu.SemaphoreType.DMA],
)
def _sc_scatter(idx_hbm, val_hbm, comb_ref, idx_v, val_v, rid_v, rowbuf, sem):
    wid = lax.axis_index("s") * _NC + lax.axis_index("c")
    pltpu.sync_copy(idx_hbm.at[wid], idx_v)
    pltpu.sync_copy(val_hbm.at[wid], val_v)

    def _z(r, carry):
        for k in range(_CAPACITY // 16):
            rowbuf[r, pl.ds(k * 16, 16)] = jnp.zeros((16,), jnp.float32)
        return carry

    lax.fori_loop(0, _RPW, _z, 0)
    def _poke(k, carry):
        idx16 = idx_v[pl.ds(k * 16, 16)]
        rid_v[pl.ds(k * 16, 16)] = idx16 >> 8
        cols16 = idx16 & 255
        vals16 = val_v[pl.ds(k * 16, 16)]
        rows16 = lax.iota(jnp.int32, 16) + k * 16
        plsc.store_scatter(rowbuf, [rows16, cols16], vals16)
        return carry

    lax.fori_loop(0, _RPW // 16, _poke, 0)
    pltpu.async_copy(rowbuf, comb_ref.at[rid_v], sem).wait()


@jax.jit
def kernel(x, wg):
    S, E, C = _TOKENS, _NUM_EXPERTS, _CAPACITY
    laux, dispatch, idx, vals = pl.pallas_call(
        _router_kernel,
        grid=(_NBLK,),
        in_specs=[
            pl.BlockSpec((S, _D_MODEL), lambda i: (0, 0)),
            pl.BlockSpec((_D_MODEL, E), lambda i: (0, 0)),
        ],
        out_specs=[
            pl.BlockSpec((1, 1), lambda i: (0, 0), memory_space=pltpu.SMEM),
            pl.BlockSpec((_SBLK, E, C), lambda i: (i, 0, 0)),
            pl.BlockSpec((S, 2), lambda i: (0, 0)),
            pl.BlockSpec((S, 2), lambda i: (0, 0)),
        ],
        out_shape=[
            jax.ShapeDtypeStruct((1, 1), jnp.float32),
            jax.ShapeDtypeStruct((S, E, C), jnp.int8),
            jax.ShapeDtypeStruct((S, 2), jnp.int32),
            jax.ShapeDtypeStruct((S, 2), jnp.float32),
        ],
        scratch_shapes=[pltpu.VMEM((S, 8), jnp.float32)],
    )(x, wg)

    zeros_rows = _sc_zero()
    cref = jax.new_ref(zeros_rows)
    _sc_scatter(idx.reshape(_NW, _RPW), vals.reshape(_NW, _RPW), cref)
    combine = cref[...].reshape(S, E, C)
    return (laux[0, 0], combine, dispatch.astype(jnp.bool_))

# --- scband reference (transcript-rebuilt; emitter-appended) ---
"""Pipeline reference for scband-top-kgate-80857054315026 (READ-ONLY COPY).

The authoritative reference and input builder live on the scoring server;
editing this copy changes nothing except your own understanding.
"""

import jax, jax.numpy as jnp
import numpy as np
import math

NUM_EXPERTS = 16
CAPACITY_FACTOR = 1.0
MIN_CAPACITY = 4
TOKENS = 2048
D_MODEL = 2048


def _capacity(num_tokens, num_experts):
    cap = int(math.ceil(num_tokens / num_experts * CAPACITY_FACTOR * 2.0))
    return max(cap, MIN_CAPACITY)


def setup_inputs(seed: int = 0) -> dict:
    key = jax.random.key(seed)
    k1, k2 = jax.random.split(key)
    x = jax.random.normal(k1, (TOKENS, D_MODEL), dtype=jnp.float32)
    wg = jax.random.normal(k2, (D_MODEL, NUM_EXPERTS), dtype=jnp.float32) * 0.02
    return {"x": x, "wg": wg}


def reference(x, wg):
    # router logits (TopKGate.wg linear, no bias)
    logits = jnp.dot(x, wg)
    E = NUM_EXPERTS
    S = logits.shape[0]
    capacity = _capacity(S, E)
    # top2gating
    gates = jax.nn.softmax(logits, axis=1)
    _, top2_idx = jax.lax.top_k(gates, 2)
    mask = jax.nn.one_hot(top2_idx, E, dtype=jnp.int32)  # [S, 2, E]
    mask1 = mask[:, 0, :]
    mask2 = mask[:, 1, :]
    locations1 = jnp.cumsum(mask1, axis=0) - 1
    locations2 = jnp.cumsum(mask2, axis=0) - 1
    locations2 = locations2 + jnp.sum(mask1, axis=0, keepdims=True)
    # aux loss (apply_aux_loss with coef handled outside; forward value identical)
    me = jnp.mean(gates, axis=0)
    ce = jnp.mean(mask1.astype(jnp.float32), axis=0)
    l_aux = jnp.mean(me * ce) * E * E
    # capacity drop
    mask1 = mask1 * (locations1 < capacity).astype(jnp.int32)
    mask2 = mask2 * (locations2 < capacity).astype(jnp.int32)
    token_idx_in_first = jnp.sum(locations1 * mask1, axis=1)
    token_idx_in_second = jnp.sum(locations2 * mask2, axis=1)
    m1f = mask1.astype(jnp.float32)
    m2f = mask2.astype(jnp.float32)
    g1 = jnp.max(gates * m1f, axis=1)
    g2 = jnp.max(gates * m2f, axis=1)
    denom = jnp.maximum(g1 + g2, jnp.finfo(jnp.float32).eps)
    g1 = g1 / denom
    g2 = g2 / denom
    gates1 = g1[:, None] * m1f
    gates2 = g2[:, None] * m2f
    loc1_sc = jax.nn.one_hot(token_idx_in_first, capacity, dtype=jnp.float32)
    loc2_sc = jax.nn.one_hot(token_idx_in_second, capacity, dtype=jnp.float32)
    combine1 = jnp.einsum('se,sc->sec', gates1, loc1_sc)
    combine2 = jnp.einsum('se,sc->sec', gates2, loc2_sc)
    combine_weights = combine1 + combine2
    dispatch_mask = combine_weights.astype(bool)
    return (l_aux, combine_weights, dispatch_mask)

if __name__ == "__main__":
    import jax
    _d = setup_inputs()
    print(jax.jit(kernel)(*tuple(_d.values())))

</pallas_src>

<mosaic_0001>
#map = affine_map<(d0, d1) -> (0, 0)>
module attributes {stable_mosaic.version = 14 : i64} {
  func.func @_sc_zero(%arg0: i32, %arg1: i32, %arg2: memref<32768x256xf32, #tpu.memory_space<hbm>>, %arg3: memref<256x256xf32, #tpu.memory_space<vmem>>, %arg4: memref<!tpu.dma_semaphore, #tpu.memory_space<semaphore_mem>>) attributes {dimension_semantics = [#tpu.dimension_semantics<core_parallel>, #tpu.dimension_semantics<subcore_parallel>], iteration_bounds = array<i64: 2, 16>, scalar_prefetch = 0 : i64, scratch_operands = 2 : i64, tpu.core_type = #tpu.core_type<sc_vector_subcore>, window_params = [{transform_indices = #map}]} {
    %mul3A = arith.constant 2 : i32
    %mul3A_0 = arith.muli %arg1, %mul3A : i32
    %add3A = arith.addi %mul3A_0, %arg0 : i32
    %scan3A = arith.constant 0 : i32
    %scan3A_1 = arith.constant 0 : i32
    %scan3A_2 = arith.constant 256 : i32
    %scan3A_3 = arith.addi %scan3A_1, %scan3A_2 : i32
    %scan3A_4 = arith.constant 1 : i32
    scf.for %scan3A_46 = %scan3A_1 to %scan3A_3 step %scan3A_4  : i32 {
      %broadcast_in_dim3A = arith.constant 0.000000e+00 : f32
      %broadcast_in_dim3A_47 = vector.broadcast %broadcast_in_dim3A : f32 to vector<16xf32>
      %swap3A = arith.index_cast %scan3A_46 : i32 to index
      %swap3A_48 = arith.constant 0 : index
      %swap3A_49 = tpu.vector_load %arg3[%swap3A, %swap3A_48] {strides = array<i32>} : memref<256x256xf32, #tpu.memory_space<vmem>>, vector<16xf32>,
      tpu.vector_store %arg3[%swap3A, %swap3A_48], %broadcast_in_dim3A_47 {strides = array<i32>} : memref<256x256xf32, #tpu.memory_space<vmem>>, vector<16xf32>,
      %broadcast_in_dim3A_50 = arith.constant 0.000000e+00 : f32
      %broadcast_in_dim3A_51 = vector.broadcast %broadcast_in_dim3A_50 : f32 to vector<16xf32>
      %swap3A_52 = arith.index_cast %scan3A_46 : i32 to index
      %swap3A_53 = arith.constant 16 : index
      %swap3A_54 = tpu.vector_load %arg3[%swap3A_52, %swap3A_53] {strides = array<i32>} : memref<256x256xf32, #tpu.memory_space<vmem>>, vector<16xf32>,
      tpu.vector_store %arg3[%swap3A_52, %swap3A_53], %broadcast_in_dim3A_51 {strides = array<i32>} : memref<256x256xf32, #tpu.memory_space<vmem>>, vector<16xf32>,
      %broadcast_in_dim3A_55 = arith.constant 0.000000e+00 : f32
      %broadcast_in_dim3A_56 = vector.broadcast %broadcast_in_dim3A_55 : f32 to vector<16xf32>
      %swap3A_57 = arith.index_cast %scan3A_46 : i32 to index
      %swap3A_58 = arith.constant 32 : index
      %swap3A_59 = tpu.vector_load %arg3[%swap3A_57, %swap3A_58] {strides = array<i32>} : memref<256x256xf32, #tpu.memory_space<vmem>>, vector<16xf32>,
      tpu.vector_store %arg3[%swap3A_57, %swap3A_58], %broadcast_in_dim3A_56 {strides = array<i32>} : memref<256x256xf32, #tpu.memory_space<vmem>>, vector<16xf32>,
      %broadcast_in_dim3A_60 = arith.constant 0.000000e+00 : f32
      %broadcast_in_dim3A_61 = vector.broadcast %broadcast_in_dim3A_60 : f32 to vector<16xf32>
      %swap3A_62 = arith.index_cast %scan3A_46 : i32 to index
      %swap3A_63 = arith.constant 48 : index
      %swap3A_64 = tpu.vector_load %arg3[%swap3A_62, %swap3A_63] {strides = array<i32>} : memref<256x256xf32, #tpu.memory_space<vmem>>, vector<16xf32>,
      tpu.vector_store %arg3[%swap3A_62, %swap3A_63], %broadcast_in_dim3A_61 {strides = array<i32>} : memref<256x256xf32, #tpu.memory_space<vmem>>, vector<16xf32>,
      %broadcast_in_dim3A_65 = arith.constant 0.000000e+00 : f32
      %broadcast_in_dim3A_66 = vector.broadcast %broadcast_in_dim3A_65 : f32 to vector<16xf32>
      %swap3A_67 = arith.index_cast %scan3A_46 : i32 to index
      %swap3A_68 = arith.constant 64 : index
      %swap3A_69 = tpu.vector_load %arg3[%swap3A_67, %swap3A_68] {strides = array<i32>} : memref<256x256xf32, #tpu.memory_space<vmem>>, vector<16xf32>,
      tpu.vector_store %arg3[%swap3A_67, %swap3A_68], %broadcast_in_dim3A_66 {strides = array<i32>} : memref<256x256xf32, #tpu.memory_space<vmem>>, vector<16xf32>,
      %broadcast_in_dim3A_70 = arith.constant 0.000000e+00 : f32
      %broadcast_in_dim3A_71 = vector.broadcast %broadcast_in_dim3A_70 : f32 to vector<16xf32>
      %swap3A_72 = arith.index_cast %scan3A_46 : i32 to index
      %swap3A_73 = arith.constant 80 : index
      %swap3A_74 = tpu.vector_load %arg3[%swap3A_72, %swap3A_73] {strides = array<i32>} : memref<256x256xf32, #tpu.memory_space<vmem>>, vector<16xf32>,
      tpu.vector_store %arg3[%swap3A_72, %swap3A_73], %broadcast_in_dim3A_71 {strides = array<i32>} : memref<256x256xf32, #tpu.memory_space<vmem>>, vector<16xf32>,
      %broadcast_in_dim3A_75 = arith.constant 0.000000e+00 : f32
      %broadcast_in_dim3A_76 = vector.broadcast %broadcast_in_dim3A_75 : f32 to vector<16xf32>
      %swap3A_77 = arith.index_cast %scan3A_46 : i32 to index
      %swap3A_78 = arith.constant 96 : index
      %swap3A_79 = tpu.vector_load %arg3[%swap3A_77, %swap3A_78] {strides = array<i32>} : memref<256x256xf32, #tpu.memory_space<vmem>>, vector<16xf32>,
      tpu.vector_store %arg3[%swap3A_77, %swap3A_78], %broadcast_in_dim3A_76 {strides = array<i32>} : memref<256x256xf32, #tpu.memory_space<vmem>>, vector<16xf32>,
      %broadcast_in_dim3A_80 = arith.constant 0.000000e+00 : f32
      %broadcast_in_dim3A_81 = vector.broadcast %broadcast_in_dim3A_80 : f32 to vector<16xf32>
      %swap3A_82 = arith.index_cast %scan3A_46 : i32 to index
      %swap3A_83 = arith.constant 112 : index
      %swap3A_84 = tpu.vector_load %arg3[%swap3A_82, %swap3A_83] {strides = array<i32>} : memref<256x256xf32, #tpu.memory_space<vmem>>, vector<16xf32>,
      tpu.vector_store %arg3[%swap3A_82, %swap3A_83], %broadcast_in_dim3A_81 {strides = array<i32>} : memref<256x256xf32, #tpu.memory_space<vmem>>, vector<16xf32>,
      %broadcast_in_dim3A_85 = arith.constant 0.000000e+00 : f32
      %broadcast_in_dim3A_86 = vector.broadcast %broadcast_in_dim3A_85 : f32 to vector<16xf32>
      %swap3A_87 = arith.index_cast %scan3A_46 : i32 to index
      %swap3A_88 = arith.constant 128 : index
      %swap3A_89 = tpu.vector_load %arg3[%swap3A_87, %swap3A_88] {strides = array<i32>} : memref<256x256xf32, #tpu.memory_space<vmem>>, vector<16xf32>,
      tpu.vector_store %arg3[%swap3A_87, %swap3A_88], %broadcast_in_dim3A_86 {strides = array<i32>} : memref<256x256xf32, #tpu.memory_space<vmem>>, vector<16xf32>,
      %broadcast_in_dim3A_90 = arith.constant 0.000000e+00 : f32
      %broadcast_in_dim3A_91 = vector.broadcast %broadcast_in_dim3A_90 : f32 to vector<16xf32>
      %swap3A_92 = arith.index_cast %scan3A_46 : i32 to index
      %swap3A_93 = arith.constant 144 : index
      %swap3A_94 = tpu.vector_load %arg3[%swap3A_92, %swap3A_93] {strides = array<i32>} : memref<256x256xf32, #tpu.memory_space<vmem>>, vector<16xf32>,
      tpu.vector_store %arg3[%swap3A_92, %swap3A_93], %broadcast_in_dim3A_91 {strides = array<i32>} : memref<256x256xf32, #tpu.memory_space<vmem>>, vector<16xf32>,
      %broadcast_in_dim3A_95 = arith.constant 0.000000e+00 : f32
      %broadcast_in_dim3A_96 = vector.broadcast %broadcast_in_dim3A_95 : f32 to vector<16xf32>
      %swap3A_97 = arith.index_cast %scan3A_46 : i32 to index
      %swap3A_98 = arith.constant 160 : index
      %swap3A_99 = tpu.vector_load %arg3[%swap3A_97, %swap3A_98] {strides = array<i32>} : memref<256x256xf32, #tpu.memory_space<vmem>>, vector<16xf32>,
      tpu.vector_store %arg3[%swap3A_97, %swap3A_98], %broadcast_in_dim3A_96 {strides = array<i32>} : memref<256x256xf32, #tpu.memory_space<vmem>>, vector<16xf32>,
      %broadcast_in_dim3A_100 = arith.constant 0.000000e+00 : f32
      %broadcast_in_dim3A_101 = vector.broadcast %broadcast_in_dim3A_100 : f32 to vector<16xf32>
      %swap3A_102 = arith.index_cast %scan3A_46 : i32 to index
      %swap3A_103 = arith.constant 176 : index
      %swap3A_104 = tpu.vector_load %arg3[%swap3A_102, %swap3A_103] {strides = array<i32>} : memref<256x256xf32, #tpu.memory_space<vmem>>, vector<16xf32>,
      tpu.vector_store %arg3[%swap3A_102, %swap3A_103], %broadcast_in_dim3A_101 {strides = array<i32>} : memref<256x256xf32, #tpu.memory_space<vmem>>, vector<16xf32>,
      %broadcast_in_dim3A_105 = arith.constant 0.000000e+00 : f32
      %broadcast_in_dim3A_106 = vector.broadcast %broadcast_in_dim3A_105 : f32 to vector<16xf32>
      %swap3A_107 = arith.index_cast %scan3A_46 : i32 to index
      %swap3A_108 = arith.constant 192 : index
      %swap3A_109 = tpu.vector_load %arg3[%swap3A_107, %swap3A_108] {strides = array<i32>} : memref<256x256xf32, #tpu.memory_space<vmem>>, vector<16xf32>,
      tpu.vector_store %arg3[%swap3A_107, %swap3A_108], %broadcast_in_dim3A_106 {strides = array<i32>} : memref<256x256xf32, #tpu.memory_space<vmem>>, vector<16xf32>,
      %broadcast_in_dim3A_110 = arith.constant 0.000000e+00 : f32
      %broadcast_in_dim3A_111 = vector.broadcast %broadcast_in_dim3A_110 : f32 to vector<16xf32>
      %swap3A_112 = arith.index_cast %scan3A_46 : i32 to index
      %swap3A_113 = arith.constant 208 : index
      %swap3A_114 = tpu.vector_load %arg3[%swap3A_112, %swap3A_113] {strides = array<i32>} : memref<256x256xf32, #tpu.memory_space<vmem>>, vector<16xf32>,
      tpu.vector_store %arg3[%swap3A_112, %swap3A_113], %broadcast_in_dim3A_111 {strides = array<i32>} : memref<256x256xf32, #tpu.memory_space<vmem>>, vector<16xf32>,
      %broadcast_in_dim3A_115 = arith.constant 0.000000e+00 : f32
      %broadcast_in_dim3A_116 = vector.broadcast %broadcast_in_dim3A_115 : f32 to vector<16xf32>
      %swap3A_117 = arith.index_cast %scan3A_46 : i32 to index
      %swap3A_118 = arith.constant 224 : index
      %swap3A_119 = tpu.vector_load %arg3[%swap3A_117, %swap3A_118] {strides = array<i32>} : memref<256x256xf32, #tpu.memory_space<vmem>>, vector<16xf32>,
      tpu.vector_store %arg3[%swap3A_117, %swap3A_118], %broadcast_in_dim3A_116 {strides = array<i32>} : memref<256x256xf32, #tpu.memory_space<vmem>>, vector<16xf32>,
      %broadcast_in_dim3A_120 = arith.constant 0.000000e+00 : f32
      %broadcast_in_dim3A_121 = vector.broadcast %broadcast_in_dim3A_120 : f32 to vector<16xf32>
      %swap3A_122 = arith.index_cast %scan3A_46 : i32 to index
      %swap3A_123 = arith.constant 240 : index
      %swap3A_124 = tpu.vector_load %arg3[%swap3A_122, %swap3A_123] {strides = array<i32>} : memref<256x256xf32, #tpu.memory_space<vmem>>, vector<16xf32>,
      tpu.vector_store %arg3[%swap3A_122, %swap3A_123], %broadcast_in_dim3A_121 {strides = array<i32>} : memref<256x256xf32, #tpu.memory_space<vmem>>, vector<16xf32>,
    }
    %scan3A_5 = arith.constant 256 : i32
    %mul3A_6 = arith.constant 1024 : i32
    %mul3A_7 = arith.muli %add3A, %mul3A_6 : i32
    %add3A_8 = arith.constant 0 : i32
    %add3A_9 = arith.addi %mul3A_7, %add3A_8 : i32
    %dma_start3A = arith.constant 0 : i32
    %dma_start3A_10 = tpu.memref_slice %arg2[%add3A_9, %dma_start3A] : memref<32768x256xf32, #tpu.memory_space<hbm>> -> memref<256x256xf32, #tpu.memory_space<hbm>>
    %dma_start3A_11 = arith.constant 0 : i32
    %dma_start3A_12 = tpu.memref_slice %arg2[%add3A_9, %dma_start3A_11] : memref<32768x256xf32, #tpu.memory_space<hbm>> -> memref<256x256xf32, #tpu.memory_space<hbm>>
    tpu.enqueue_dma source(%arg3 : memref<256x256xf32, #tpu.memory_space<vmem>>) target(%dma_start3A_12 : memref<256x256xf32, #tpu.memory_space<hbm>>) target_semaphore(%arg4 : memref<!tpu.dma_semaphore, #tpu.memory_space<semaphore_mem>>)
    %add3A_13 = arith.constant 256 : i32
    %add3A_14 = arith.addi %mul3A_7, %add3A_13 : i32
    %dma_start3A_15 = arith.constant 0 : i32
    %dma_start3A_16 = tpu.memref_slice %arg2[%add3A_14, %dma_start3A_15] : memref<32768x256xf32, #tpu.memory_space<hbm>> -> memref<256x256xf32, #tpu.memory_space<hbm>>
    %dma_start3A_17 = arith.constant 0 : i32
    %dma_start3A_18 = tpu.memref_slice %arg2[%add3A_14, %dma_start3A_17] : memref<32768x256xf32, #tpu.memory_space<hbm>> -> memref<256x256xf32, #tpu.memory_space<hbm>>
    tpu.enqueue_dma source(%arg3 : memref<256x256xf32, #tpu.memory_space<vmem>>) target(%dma_start3A_18 : memref<256x256xf32, #tpu.memory_space<hbm>>) target_semaphore(%arg4 : memref<!tpu.dma_semaphore, #tpu.memory_space<semaphore_mem>>)
    %add3A_19 = arith.constant 512 : i32
    %add3A_20 = arith.addi %mul3A_7, %add3A_19 : i32
    %dma_start3A_21 = arith.constant 0 : i32
    %dma_start3A_22 = tpu.memref_slice %arg2[%add3A_20, %dma_start3A_21] : memref<32768x256xf32, #tpu.memory_space<hbm>> -> memref<256x256xf32, #tpu.memory_space<hbm>>
    %dma_start3A_23 = arith.constant 0 : i32
    %dma_start3A_24 = tpu.memref_slice %arg2[%add3A_20, %dma_start3A_23] : memref<32768x256xf32, #tpu.memory_space<hbm>> -> memref<256x256xf32, #tpu.memory_space<hbm>>
    tpu.enqueue_dma source(%arg3 : memref<256x256xf32, #tpu.memory_space<vmem>>) target(%dma_start3A_24 : memref<256x256xf32, #tpu.memory_space<hbm>>) target_semaphore(%arg4 : memref<!tpu.dma_semaphore, #tpu.memory_space<semaphore_mem>>)
    %add3A_25 = arith.constant 768 : i32
    %add3A_26 = arith.addi %mul3A_7, %add3A_25 : i32
    %dma_start3A_27 = arith.constant 0 : i32
    %dma_start3A_28 = tpu.memref_slice %arg2[%add3A_26, %dma_start3A_27] : memref<32768x256xf32, #tpu.memory_space<hbm>> -> memref<256x256xf32, #tpu.memory_space<hbm>>
    %dma_start3A_29 = arith.constant 0 : i32
    %dma_start3A_30 = tpu.memref_slice %arg2[%add3A_26, %dma_start3A_29] : memref<32768x256xf32, #tpu.memory_space<hbm>> -> memref<256x256xf32, #tpu.memory_space<hbm>>
    tpu.enqueue_dma source(%arg3 : memref<256x256xf32, #tpu.memory_space<vmem>>) target(%dma_start3A_30 : memref<256x256xf32, #tpu.memory_space<hbm>>) target_semaphore(%arg4 : memref<!tpu.dma_semaphore, #tpu.memory_space<semaphore_mem>>)
    %dma_wait3A = arith.constant 0 : i32
    %dma_wait3A_31 = tpu.memref_slice %arg2[%add3A_9, %dma_wait3A] : memref<32768x256xf32, #tpu.memory_space<hbm>> -> memref<256x256xf32, #tpu.memory_space<hbm>>
    %dma_wait3A_32 = arith.constant 0 : i32
    %dma_wait3A_33 = tpu.memref_slice %arg2[%add3A_9, %dma_wait3A_32] : memref<32768x256xf32, #tpu.memory_space<hbm>> -> memref<256x256xf32, #tpu.memory_space<hbm>>
    tpu.wait_dma2 semaphore(%arg4 : memref<!tpu.dma_semaphore, #tpu.memory_space<semaphore_mem>>) src(%arg3 : memref<256x256xf32, #tpu.memory_space<vmem>>) dst(%dma_wait3A_33 : memref<256x256xf32, #tpu.memory_space<hbm>>)
    %dma_wait3A_34 = arith.constant 0 : i32
    %dma_wait3A_35 = tpu.memref_slice %arg2[%add3A_14, %dma_wait3A_34] : memref<32768x256xf32, #tpu.memory_space<hbm>> -> memref<256x256xf32, #tpu.memory_space<hbm>>
    %dma_wait3A_36 = arith.constant 0 : i32
    %dma_wait3A_37 = tpu.memref_slice %arg2[%add3A_14, %dma_wait3A_36] : memref<32768x256xf32, #tpu.memory_space<hbm>> -> memref<256x256xf32, #tpu.memory_space<hbm>>
    tpu.wait_dma2 semaphore(%arg4 : memref<!tpu.dma_semaphore, #tpu.memory_space<semaphore_mem>>) src(%arg3 : memref<256x256xf32, #tpu.memory_space<vmem>>) dst(%dma_wait3A_37 : memref<256x256xf32, #tpu.memory_space<hbm>>)
    %dma_wait3A_38 = arith.constant 0 : i32
    %dma_wait3A_39 = tpu.memref_slice %arg2[%add3A_20, %dma_wait3A_38] : memref<32768x256xf32, #tpu.memory_space<hbm>> -> memref<256x256xf32, #tpu.memory_space<hbm>>
    %dma_wait3A_40 = arith.constant 0 : i32
    %dma_wait3A_41 = tpu.memref_slice %arg2[%add3A_20, %dma_wait3A_40] : memref<32768x256xf32, #tpu.memory_space<hbm>> -> memref<256x256xf32, #tpu.memory_space<hbm>>
    tpu.wait_dma2 semaphore(%arg4 : memref<!tpu.dma_semaphore, #tpu.memory_space<semaphore_mem>>) src(%arg3 : memref<256x256xf32, #tpu.memory_space<vmem>>) dst(%dma_wait3A_41 : memref<256x256xf32, #tpu.memory_space<hbm>>)
    %dma_wait3A_42 = arith.constant 0 : i32
    %dma_wait3A_43 = tpu.memref_slice %arg2[%add3A_26, %dma_wait3A_42] : memref<32768x256xf32, #tpu.memory_space<hbm>> -> memref<256x256xf32, #tpu.memory_space<hbm>>
    %dma_wait3A_44 = arith.constant 0 : i32
    %dma_wait3A_45 = tpu.memref_slice %arg2[%add3A_26, %dma_wait3A_44] : memref<32768x256xf32, #tpu.memory_space<hbm>> -> memref<256x256xf32, #tpu.memory_space<hbm>>
    tpu.wait_dma2 semaphore(%arg4 : memref<!tpu.dma_semaphore, #tpu.memory_space<semaphore_mem>>) src(%arg3 : memref<256x256xf32, #tpu.memory_space<vmem>>) dst(%dma_wait3A_45 : memref<256x256xf32, #tpu.memory_space<hbm>>)
    return
  }
}

#map = affine_map<(d0, d1) -> (0, 0)>
module attributes {stable_mosaic.version = 14 : i64} {
  func.func @new_body(%arg0: i32, %arg1: i32, %arg2: memref<32x128xi32, #tpu.memory_space<hbm>>, %arg3: memref<32x128xf32, #tpu.memory_space<hbm>>, %arg4: memref<32768x256xf32, #tpu.memory_space<hbm>>, %arg5: memref<32768x256xf32, #tpu.memory_space<hbm>>, %arg6: memref<128xi32, #tpu.memory_space<vmem>>, %arg7: memref<128xf32, #tpu.memory_space<vmem>>, %arg8: memref<128xi32, #tpu.memory_space<vmem>>, %arg9: memref<128x256xf32, #tpu.memory_space<vmem>>, %arg10: memref<!tpu.dma_semaphore, #tpu.memory_space<semaphore_mem>>) attributes {dimension_semantics = [#tpu.dimension_semantics<core_parallel>, #tpu.dimension_semantics<subcore_parallel>], iteration_bounds = array<i64: 2, 16>, scalar_prefetch = 0 : i64, scratch_operands = 5 : i64, tpu.core_type = #tpu.core_type<sc_vector_subcore>, window_params = [{transform_indices = #map}, {transform_indices = #map}, {transform_indices = #map}, {transform_indices = #map}]} {
    %mul3A = arith.constant 2 : i32
    %mul3A_0 = arith.muli %arg1, %mul3A : i32
    %add3A = arith.addi %mul3A_0, %arg0 : i32
    "tpu.region"() ({
      %run_scoped3A = tpu.sem_alloc : memref<!tpu.dma_semaphore, #tpu.memory_space<semaphore_mem>>
      %dma_start3A_16 = arith.constant 0 : i32
      %dma_start3A_17 = tpu.memref_slice %arg2[%add3A, %dma_start3A_16] : memref<32x128xi32, #tpu.memory_space<hbm>> -> memref<1x128xi32, #tpu.memory_space<hbm>>
      %dma_start3A_18 = tpu.memref_squeeze %dma_start3A_17 : memref<1x128xi32, #tpu.memory_space<hbm>> -> memref<128xi32, #tpu.memory_space<hbm>>
      %dma_start3A_19 = arith.constant 0 : i32
      %dma_start3A_20 = tpu.memref_slice %arg2[%add3A, %dma_start3A_19] : memref<32x128xi32, #tpu.memory_space<hbm>> -> memref<1x128xi32, #tpu.memory_space<hbm>>
      %dma_start3A_21 = tpu.memref_squeeze %dma_start3A_20 : memref<1x128xi32, #tpu.memory_space<hbm>> -> memref<128xi32, #tpu.memory_space<hbm>>
      tpu.enqueue_dma source(%dma_start3A_21 : memref<128xi32, #tpu.memory_space<hbm>>) target(%arg6 : memref<128xi32, #tpu.memory_space<vmem>>) target_semaphore(%run_scoped3A : memref<!tpu.dma_semaphore, #tpu.memory_space<semaphore_mem>>)
      %dma_wait3A_22 = arith.constant 0 : i32
      %dma_wait3A_23 = tpu.memref_slice %arg2[%add3A, %dma_wait3A_22] : memref<32x128xi32, #tpu.memory_space<hbm>> -> memref<1x128xi32, #tpu.memory_space<hbm>>
      %dma_wait3A_24 = tpu.memref_squeeze %dma_wait3A_23 : memref<1x128xi32, #tpu.memory_space<hbm>> -> memref<128xi32, #tpu.memory_space<hbm>>
      %dma_wait3A_25 = arith.constant 0 : i32
      %dma_wait3A_26 = tpu.memref_slice %arg2[%add3A, %dma_wait3A_25] : memref<32x128xi32, #tpu.memory_space<hbm>> -> memref<1x128xi32, #tpu.memory_space<hbm>>
      %dma_wait3A_27 = tpu.memref_squeeze %dma_wait3A_26 : memref<1x128xi32, #tpu.memory_space<hbm>> -> memref<128xi32, #tpu.memory_space<hbm>>
      tpu.wait_dma2 semaphore(%run_scoped3A : memref<!tpu.dma_semaphore, #tpu.memory_space<semaphore_mem>>) src(%dma_wait3A_27 : memref<128xi32, #tpu.memory_space<hbm>>) dst(%arg6 : memref<128xi32, #tpu.memory_space<vmem>>)
      tpu.yield
    }) : () -> ()
    "tpu.region"() ({
      %run_scoped3A = tpu.sem_alloc : memref<!tpu.dma_semaphore, #tpu.memory_space<semaphore_mem>>
      %dma_start3A_16 = arith.constant 0 : i32
      %dma_start3A_17 = tpu.memref_slice %arg3[%add3A, %dma_start3A_16] : memref<32x128xf32, #tpu.memory_space<hbm>> -> memref<1x128xf32, #tpu.memory_space<hbm>>
      %dma_start3A_18 = tpu.memref_squeeze %dma_start3A_17 : memref<1x128xf32, #tpu.memory_space<hbm>> -> memref<128xf32, #tpu.memory_space<hbm>>
      %dma_start3A_19 = arith.constant 0 : i32
      %dma_start3A_20 = tpu.memref_slice %arg3[%add3A, %dma_start3A_19] : memref<32x128xf32, #tpu.memory_space<hbm>> -> memref<1x128xf32, #tpu.memory_space<hbm>>
      %dma_start3A_21 = tpu.memref_squeeze %dma_start3A_20 : memref<1x128xf32, #tpu.memory_space<hbm>> -> memref<128xf32, #tpu.memory_space<hbm>>
      tpu.enqueue_dma source(%dma_start3A_21 : memref<128xf32, #tpu.memory_space<hbm>>) target(%arg7 : memref<128xf32, #tpu.memory_space<vmem>>) target_semaphore(%run_scoped3A : memref<!tpu.dma_semaphore, #tpu.memory_space<semaphore_mem>>)
      %dma_wait3A_22 = arith.constant 0 : i32
      %dma_wait3A_23 = tpu.memref_slice %arg3[%add3A, %dma_wait3A_22] : memref<32x128xf32, #tpu.memory_space<hbm>> -> memref<1x128xf32, #tpu.memory_space<hbm>>
      %dma_wait3A_24 = tpu.memref_squeeze %dma_wait3A_23 : memref<1x128xf32, #tpu.memory_space<hbm>> -> memref<128xf32, #tpu.memory_space<hbm>>
      %dma_wait3A_25 = arith.constant 0 : i32
      %dma_wait3A_26 = tpu.memref_slice %arg3[%add3A, %dma_wait3A_25] : memref<32x128xf32, #tpu.memory_space<hbm>> -> memref<1x128xf32, #tpu.memory_space<hbm>>
      %dma_wait3A_27 = tpu.memref_squeeze %dma_wait3A_26 : memref<1x128xf32, #tpu.memory_space<hbm>> -> memref<128xf32, #tpu.memory_space<hbm>>
      tpu.wait_dma2 semaphore(%run_scoped3A : memref<!tpu.dma_semaphore, #tpu.memory_space<semaphore_mem>>) src(%dma_wait3A_27 : memref<128xf32, #tpu.memory_space<hbm>>) dst(%arg7 : memref<128xf32, #tpu.memory_space<vmem>>)
      tpu.yield
    }) : () -> ()
    %scan3A = arith.constant 0 : i32
    %scan3A_1 = arith.constant 0 : i32
    %scan3A_2 = arith.constant 128 : i32
    %scan3A_3 = arith.addi %scan3A_1, %scan3A_2 : i32
    %scan3A_4 = arith.constant 1 : i32
    scf.for %scan3A_16 = %scan3A_1 to %scan3A_3 step %scan3A_4  : i32 {
      %broadcast_in_dim3A = arith.constant 0.000000e+00 : f32
      %broadcast_in_dim3A_17 = vector.broadcast %broadcast_in_dim3A : f32 to vector<16xf32>
      %swap3A = arith.index_cast %scan3A_16 : i32 to index
      %swap3A_18 = arith.constant 0 : index
      %swap3A_19 = tpu.vector_load %arg9[%swap3A, %swap3A_18] {strides = array<i32>} : memref<128x256xf32, #tpu.memory_space<vmem>>, vector<16xf32>,
      tpu.vector_store %arg9[%swap3A, %swap3A_18], %broadcast_in_dim3A_17 {strides = array<i32>} : memref<128x256xf32, #tpu.memory_space<vmem>>, vector<16xf32>,
      %broadcast_in_dim3A_20 = arith.constant 0.000000e+00 : f32
      %broadcast_in_dim3A_21 = vector.broadcast %broadcast_in_dim3A_20 : f32 to vector<16xf32>
      %swap3A_22 = arith.index_cast %scan3A_16 : i32 to index
      %swap3A_23 = arith.constant 16 : index
      %swap3A_24 = tpu.vector_load %arg9[%swap3A_22, %swap3A_23] {strides = array<i32>} : memref<128x256xf32, #tpu.memory_space<vmem>>, vector<16xf32>,
      tpu.vector_store %arg9[%swap3A_22, %swap3A_23], %broadcast_in_dim3A_21 {strides = array<i32>} : memref<128x256xf32, #tpu.memory_space<vmem>>, vector<16xf32>,
      %broadcast_in_dim3A_25 = arith.constant 0.000000e+00 : f32
      %broadcast_in_dim3A_26 = vector.broadcast %broadcast_in_dim3A_25 : f32 to vector<16xf32>
      %swap3A_27 = arith.index_cast %scan3A_16 : i32 to index
      %swap3A_28 = arith.constant 32 : index
      %swap3A_29 = tpu.vector_load %arg9[%swap3A_27, %swap3A_28] {strides = array<i32>} : memref<128x256xf32, #tpu.memory_space<vmem>>, vector<16xf32>,
      tpu.vector_store %arg9[%swap3A_27, %swap3A_28], %broadcast_in_dim3A_26 {strides = array<i32>} : memref<128x256xf32, #tpu.memory_space<vmem>>, vector<16xf32>,
      %broadcast_in_dim3A_30 = arith.constant 0.000000e+00 : f32
      %broadcast_in_dim3A_31 = vector.broadcast %broadcast_in_dim3A_30 : f32 to vector<16xf32>
      %swap3A_32 = arith.index_cast %scan3A_16 : i32 to index
      %swap3A_33 = arith.constant 48 : index
      %swap3A_34 = tpu.vector_load %arg9[%swap3A_32, %swap3A_33] {strides = array<i32>} : memref<128x256xf32, #tpu.memory_space<vmem>>, vector<16xf32>,
      tpu.vector_store %arg9[%swap3A_32, %swap3A_33], %broadcast_in_dim3A_31 {strides = array<i32>} : memref<128x256xf32, #tpu.memory_space<vmem>>, vector<16xf32>,
      %broadcast_in_dim3A_35 = arith.constant 0.000000e+00 : f32
      %broadcast_in_dim3A_36 = vector.broadcast %broadcast_in_dim3A_35 : f32 to vector<16xf32>
      %swap3A_37 = arith.index_cast %scan3A_16 : i32 to index
      %swap3A_38 = arith.constant 64 : index
      %swap3A_39 = tpu.vector_load %arg9[%swap3A_37, %swap3A_38] {strides = array<i32>} : memref<128x256xf32, #tpu.memory_space<vmem>>, vector<16xf32>,
      tpu.vector_store %arg9[%swap3A_37, %swap3A_38], %broadcast_in_dim3A_36 {strides = array<i32>} : memref<128x256xf32, #tpu.memory_space<vmem>>, vector<16xf32>,
      %broadcast_in_dim3A_40 = arith.constant 0.000000e+00 : f32
      %broadcast_in_dim3A_41 = vector.broadcast %broadcast_in_dim3A_40 : f32 to vector<16xf32>
      %swap3A_42 = arith.index_cast %scan3A_16 : i32 to index
      %swap3A_43 = arith.constant 80 : index
      %swap3A_44 = tpu.vector_load %arg9[%swap3A_42, %swap3A_43] {strides = array<i32>} : memref<128x256xf32, #tpu.memory_space<vmem>>, vector<16xf32>,
      tpu.vector_store %arg9[%swap3A_42, %swap3A_43], %broadcast_in_dim3A_41 {strides = array<i32>} : memref<128x256xf32, #tpu.memory_space<vmem>>, vector<16xf32>,
      %broadcast_in_dim3A_45 = arith.constant 0.000000e+00 : f32
      %broadcast_in_dim3A_46 = vector.broadcast %broadcast_in_dim3A_45 : f32 to vector<16xf32>
      %swap3A_47 = arith.index_cast %scan3A_16 : i32 to index
      %swap3A_48 = arith.constant 96 : index
      %swap3A_49 = tpu.vector_load %arg9[%swap3A_47, %swap3A_48] {strides = array<i32>} : memref<128x256xf32, #tpu.memory_space<vmem>>, vector<16xf32>,
      tpu.vector_store %arg9[%swap3A_47, %swap3A_48], %broadcast_in_dim3A_46 {strides = array<i32>} : memref<128x256xf32, #tpu.memory_space<vmem>>, vector<16xf32>,
      %broadcast_in_dim3A_50 = arith.constant 0.000000e+00 : f32
      %broadcast_in_dim3A_51 = vector.broadcast %broadcast_in_dim3A_50 : f32 to vector<16xf32>
      %swap3A_52 = arith.index_cast %scan3A_16 : i32 to index
      %swap3A_53 = arith.constant 112 : index
      %swap3A_54 = tpu.vector_load %arg9[%swap3A_52, %swap3A_53] {strides = array<i32>} : memref<128x256xf32, #tpu.memory_space<vmem>>, vector<16xf32>,
      tpu.vector_store %arg9[%swap3A_52, %swap3A_53], %broadcast_in_dim3A_51 {strides = array<i32>} : memref<128x256xf32, #tpu.memory_space<vmem>>, vector<16xf32>,
      %broadcast_in_dim3A_55 = arith.constant 0.000000e+00 : f32
      %broadcast_in_dim3A_56 = vector.broadcast %broadcast_in_dim3A_55 : f32 to vector<16xf32>
      %swap3A_57 = arith.index_cast %scan3A_16 : i32 to index
      %swap3A_58 = arith.constant 128 : index
      %swap3A_59 = tpu.vector_load %arg9[%swap3A_57, %swap3A_58] {strides = array<i32>} : memref<128x256xf32, #tpu.memory_space<vmem>>, vector<16xf32>,
      tpu.vector_store %arg9[%swap3A_57, %swap3A_58], %broadcast_in_dim3A_56 {strides = array<i32>} : memref<128x256xf32, #tpu.memory_space<vmem>>, vector<16xf32>,
      %broadcast_in_dim3A_60 = arith.constant 0.000000e+00 : f32
      %broadcast_in_dim3A_61 = vector.broadcast %broadcast_in_dim3A_60 : f32 to vector<16xf32>
      %swap3A_62 = arith.index_cast %scan3A_16 : i32 to index
      %swap3A_63 = arith.constant 144 : index
      %swap3A_64 = tpu.vector_load %arg9[%swap3A_62, %swap3A_63] {strides = array<i32>} : memref<128x256xf32, #tpu.memory_space<vmem>>, vector<16xf32>,
      tpu.vector_store %arg9[%swap3A_62, %swap3A_63], %broadcast_in_dim3A_61 {strides = array<i32>} : memref<128x256xf32, #tpu.memory_space<vmem>>, vector<16xf32>,
      %broadcast_in_dim3A_65 = arith.constant 0.000000e+00 : f32
      %broadcast_in_dim3A_66 = vector.broadcast %broadcast_in_dim3A_65 : f32 to vector<16xf32>
      %swap3A_67 = arith.index_cast %scan3A_16 : i32 to index
      %swap3A_68 = arith.constant 160 : index
      %swap3A_69 = tpu.vector_load %arg9[%swap3A_67, %swap3A_68] {strides = array<i32>} : memref<128x256xf32, #tpu.memory_space<vmem>>, vector<16xf32>,
      tpu.vector_store %arg9[%swap3A_67, %swap3A_68], %broadcast_in_dim3A_66 {strides = array<i32>} : memref<128x256xf32, #tpu.memory_space<vmem>>, vector<16xf32>,
      %broadcast_in_dim3A_70 = arith.constant 0.000000e+00 : f32
      %broadcast_in_dim3A_71 = vector.broadcast %broadcast_in_dim3A_70 : f32 to vector<16xf32>
      %swap3A_72 = arith.index_cast %scan3A_16 : i32 to index
      %swap3A_73 = arith.constant 176 : index
      %swap3A_74 = tpu.vector_load %arg9[%swap3A_72, %swap3A_73] {strides = array<i32>} : memref<128x256xf32, #tpu.memory_space<vmem>>, vector<16xf32>,
      tpu.vector_store %arg9[%swap3A_72, %swap3A_73], %broadcast_in_dim3A_71 {strides = array<i32>} : memref<128x256xf32, #tpu.memory_space<vmem>>, vector<16xf32>,
      %broadcast_in_dim3A_75 = arith.constant 0.000000e+00 : f32
      %broadcast_in_dim3A_76 = vector.broadcast %broadcast_in_dim3A_75 : f32 to vector<16xf32>
      %swap3A_77 = arith.index_cast %scan3A_16 : i32 to index
      %swap3A_78 = arith.constant 192 : index
      %swap3A_79 = tpu.vector_load %arg9[%swap3A_77, %swap3A_78] {strides = array<i32>} : memref<128x256xf32, #tpu.memory_space<vmem>>, vector<16xf32>,
      tpu.vector_store %arg9[%swap3A_77, %swap3A_78], %broadcast_in_dim3A_76 {strides = array<i32>} : memref<128x256xf32, #tpu.memory_space<vmem>>, vector<16xf32>,
      %broadcast_in_dim3A_80 = arith.constant 0.000000e+00 : f32
      %broadcast_in_dim3A_81 = vector.broadcast %broadcast_in_dim3A_80 : f32 to vector<16xf32>
      %swap3A_82 = arith.index_cast %scan3A_16 : i32 to index
      %swap3A_83 = arith.constant 208 : index
      %swap3A_84 = tpu.vector_load %arg9[%swap3A_82, %swap3A_83] {strides = array<i32>} : memref<128x256xf32, #tpu.memory_space<vmem>>, vector<16xf32>,
      tpu.vector_store %arg9[%swap3A_82, %swap3A_83], %broadcast_in_dim3A_81 {strides = array<i32>} : memref<128x256xf32, #tpu.memory_space<vmem>>, vector<16xf32>,
      %broadcast_in_dim3A_85 = arith.constant 0.000000e+00 : f32
      %broadcast_in_dim3A_86 = vector.broadcast %broadcast_in_dim3A_85 : f32 to vector<16xf32>
      %swap3A_87 = arith.index_cast %scan3A_16 : i32 to index
      %swap3A_88 = arith.constant 224 : index
      %swap3A_89 = tpu.vector_load %arg9[%swap3A_87, %swap3A_88] {strides = array<i32>} : memref<128x256xf32, #tpu.memory_space<vmem>>, vector<16xf32>,
      tpu.vector_store %arg9[%swap3A_87, %swap3A_88], %broadcast_in_dim3A_86 {strides = array<i32>} : memref<128x256xf32, #tpu.memory_space<vmem>>, vector<16xf32>,
      %broadcast_in_dim3A_90 = arith.constant 0.000000e+00 : f32
      %broadcast_in_dim3A_91 = vector.broadcast %broadcast_in_dim3A_90 : f32 to vector<16xf32>
      %swap3A_92 = arith.index_cast %scan3A_16 : i32 to index
      %swap3A_93 = arith.constant 240 : index
      %swap3A_94 = tpu.vector_load %arg9[%swap3A_92, %swap3A_93] {strides = array<i32>} : memref<128x256xf32, #tpu.memory_space<vmem>>, vector<16xf32>,
      tpu.vector_store %arg9[%swap3A_92, %swap3A_93], %broadcast_in_dim3A_91 {strides = array<i32>} : memref<128x256xf32, #tpu.memory_space<vmem>>, vector<16xf32>,
    }
    %scan3A_5 = arith.constant 128 : i32
    %scan3A_6 = arith.constant 0 : i32
    %scan3A_7 = arith.constant 0 : i32
    %scan3A_8 = arith.constant 8 : i32
    %scan3A_9 = arith.addi %scan3A_7, %scan3A_8 : i32
    %scan3A_10 = arith.constant 1 : i32
    scf.for %scan3A_16 = %scan3A_7 to %scan3A_9 step %scan3A_10  : i32 {
      %mul3A_17 = arith.constant 16 : i32
      %mul3A_18 = arith.muli %scan3A_16, %mul3A_17 : i32
      %get3A = arith.index_cast %mul3A_18 : i32 to index
      %get3A_19 = tpu.vector_load %arg6[%get3A] {strides = array<i32>} : memref<128xi32, #tpu.memory_space<vmem>>, vector<16xi32>,
      %shift_right_arithmetic3A = arith.constant 8 : i32
      %shift_right_arithmetic3A_20 = vector.broadcast %shift_right_arithmetic3A : i32 to vector<16xi32>
      %shift_right_arithmetic3A_21 = arith.shrsi %get3A_19, %shift_right_arithmetic3A_20 : vector<16xi32>
      %mul3A_22 = arith.constant 16 : i32
      %mul3A_23 = arith.muli %scan3A_16, %mul3A_22 : i32
      %swap3A = arith.index_cast %mul3A_23 : i32 to index
      %swap3A_24 = tpu.vector_load %arg8[%swap3A] {strides = array<i32>} : memref<128xi32, #tpu.memory_space<vmem>>, vector<16xi32>,
      tpu.vector_store %arg8[%swap3A], %shift_right_arithmetic3A_21 {strides = array<i32>} : memref<128xi32, #tpu.memory_space<vmem>>, vector<16xi32>,
      %and3A = arith.constant 255 : i32
      %and3A_25 = vector.broadcast %and3A : i32 to vector<16xi32>
      %and3A_26 = arith.andi %get3A_19, %and3A_25 : vector<16xi32>
      %mul3A_27 = arith.constant 16 : i32
      %mul3A_28 = arith.muli %scan3A_16, %mul3A_27 : i32
      %get3A_29 = arith.index_cast %mul3A_28 : i32 to index
      %get3A_30 = tpu.vector_load %arg7[%get3A_29] {strides = array<i32>} : memref<128xf32, #tpu.memory_space<vmem>>, vector<16xf32>,
      %iota3A = tpu.iota {dimensions = array<i32: 0>} : vector<16xi32>
      %mul3A_31 = arith.constant 16 : i32
      %mul3A_32 = arith.muli %scan3A_16, %mul3A_31 : i32
      %add3A_33 = vector.broadcast %mul3A_32 : i32 to vector<16xi32>
      %add3A_34 = arith.addi %iota3A, %add3A_33 : vector<16xi32>
      tpu.vector_store_idx %arg9[%add3A_34, %and3A_26], %get3A_30 : memref<128x256xf32, #tpu.memory_space<vmem>>[vector<16xi32>, vector<16xi32>], vector<16xf32>,
    }
    %scan3A_11 = arith.constant 8 : i32
    %dma_start3A = arith.constant 0 : i32
    %dma_start3A_12 = arith.constant 0 : i32
    %dma_start3A_13 = tpu.memref_slice %arg4[%dma_start3A, %dma_start3A_12] : memref<32768x256xf32, #tpu.memory_space<hbm>> -> memref<32768x256xf32, #tpu.memory_space<hbm>>
    tpu.enqueue_indirect_dma source(%arg9 : memref<128x256xf32, #tpu.memory_space<vmem>>) target(%dma_start3A_13 : memref<32768x256xf32, #tpu.memory_space<hbm>>) offsets(%arg8 : memref<128xi32, #tpu.memory_space<vmem>>) semaphore(%arg10 : memref<!tpu.dma_semaphore, #tpu.memory_space<semaphore_mem>>)
    %dma_wait3A = arith.constant 0 : i32
    %dma_wait3A_14 = arith.constant 0 : i32
    %dma_wait3A_15 = tpu.memref_slice %arg4[%dma_wait3A, %dma_wait3A_14] : memref<32768x256xf32, #tpu.memory_space<hbm>> -> memref<32768x256xf32, #tpu.memory_space<hbm>>
    tpu.wait_indirect_dma semaphore(%arg10 : memref<!tpu.dma_semaphore, #tpu.memory_space<semaphore_mem>>) src(%arg9 : memref<128x256xf32, #tpu.memory_space<vmem>>) dst(%dma_wait3A_15 : memref<32768x256xf32, #tpu.memory_space<hbm>>)
    return
  }
}

module attributes {stable_mosaic.version = 14 : i64} {
  func.func @_router_kernel(%arg0: i32, %arg1: memref<2048x2048xf32, #tpu.memory_space<vmem>>, %arg2: memref<2048x16xf32, #tpu.memory_space<vmem>>, %arg3: memref<1x1xf32, #tpu.memory_space<smem>>, %arg4: memref<256x16x256xi8, #tpu.memory_space<vmem>>, %arg5: memref<2048x2xi32, #tpu.memory_space<vmem>>, %arg6: memref<2048x2xf32, #tpu.memory_space<vmem>>, %arg7: memref<2048x8xf32, #tpu.memory_space<vmem>>) attributes {dimension_semantics = [#tpu.dimension_semantics<arbitrary>], iteration_bounds = array<i64: 8>, scalar_prefetch = 0 : i64, scratch_operands = 1 : i64, tpu.core_type = #tpu.core_type<tc>, window_params = [{pipeline_mode = #tpu.pipeline_mode<synchronous>, transform_indices = @transform_0, window_bounds = array<i64: 2048, 2048>}, {pipeline_mode = #tpu.pipeline_mode<synchronous>, transform_indices = @transform_1, window_bounds = array<i64: 2048, 16>}, {transform_indices = @transform_2, window_bounds = array<i64: 1, 1>}, {transform_indices = @transform_3, window_bounds = array<i64: 256, 16, 256>}, {pipeline_mode = #tpu.pipeline_mode<synchronous>, transform_indices = @transform_4, window_bounds = array<i64: 2048, 2>}, {pipeline_mode = #tpu.pipeline_mode<synchronous>, transform_indices = @transform_5, window_bounds = array<i64: 2048, 2>}]} {
    %eq3A = arith.constant 0 : i32
    %eq3A_0 = arith.cmpi eq, %arg0, %eq3A : i32
    %convert_element_type3A = arith.extui %eq3A_0 : i1 to i32
    %cond3A = arith.constant 0 : i32
    %cond3A_1 = arith.cmpi ne, %convert_element_type3A, %cond3A : i32
    scf.if %cond3A_1 {
      %get3A_54 = arith.constant 0 : index
      %get3A_55 = arith.constant 0 : index
      %get3A_56 = vector.load %arg1[%get3A_54, %get3A_55] : memref<2048x2048xf32, #tpu.memory_space<vmem>>, vector<2048x2048xf32>
      %get3A_57 = arith.constant 0 : index
      %get3A_58 = arith.constant 0 : index
      %get3A_59 = vector.load %arg2[%get3A_57, %get3A_58] : memref<2048x16xf32, #tpu.memory_space<vmem>>, vector<2048x16xf32>
      %dot_general3A = arith.constant dense<0.000000e+00> : vector<2048x16xf32>
      %dot_general3A_60 = tpu.matmul %get3A_56, %get3A_59, %dot_general3A {dimension_numbers = #tpu.dot_dimension_numbers<[1], [0], [0], [1], [0, 0, 1, 1], [], []>, transpose_lhs_hint = false} : vector<2048x2048xf32>, vector<2048x16xf32>, vector<2048x16xf32> -> vector<2048x16xf32>
      %reduce_max3A = arith.constant dense<0xFF800000> : vector<2048xf32>
      %reduce_max3A_61 = vector.multi_reduction <maximumf>, %dot_general3A_60, %reduce_max3A [1] : vector<2048x16xf32> to vector<2048xf32>
      %broadcast_in_dim3A_62 = vector.shape_cast %reduce_max3A_61 : vector<2048xf32> to vector<2048x1xf32>
      %sub3A = vector.broadcast %broadcast_in_dim3A_62 : vector<2048x1xf32> to vector<2048x16xf32>
      %sub3A_63 = arith.subf %dot_general3A_60, %sub3A : vector<2048x16xf32>
      %exp3A = math.exp %sub3A_63 : vector<2048x16xf32>
      %reduce_sum3A = arith.constant dense<0.000000e+00> : vector<2048xf32>
      %reduce_sum3A_64 = vector.multi_reduction <add>, %exp3A, %reduce_sum3A [1] : vector<2048x16xf32> to vector<2048xf32>
      %broadcast_in_dim3A_65 = vector.shape_cast %reduce_sum3A_64 : vector<2048xf32> to vector<2048x1xf32>
      %div3A = vector.broadcast %broadcast_in_dim3A_65 : vector<2048x1xf32> to vector<2048x16xf32>
      %div3A_66 = arith.divf %exp3A, %div3A : vector<2048x16xf32>
      %iota3A_67 = tpu.iota {dimensions = array<i32: 1>} : vector<2048x16xi32>
      %argmax3A = tpu.reduce_index %div3A_66 {axis = 1 : i32, kind = #tpu.reduction_kind<arg_max>} : vector<2048x16xf32> -> vector<2048xi32>
      %broadcast_in_dim3A_68 = vector.shape_cast %argmax3A : vector<2048xi32> to vector<2048x1xi32>
      %eq3A_69 = vector.broadcast %broadcast_in_dim3A_68 : vector<2048x1xi32> to vector<2048x16xi32>
      %eq3A_70 = arith.cmpi eq, %iota3A_67, %eq3A_69 : vector<2048x16xi32>
      %jit3A_71 = arith.constant -1.000000e+00 : f32
      %broadcast_in_dim3A_72 = vector.broadcast %jit3A_71 : f32 to vector<2048x16xf32>
      %select_n3A_73 = arith.select %eq3A_70, %broadcast_in_dim3A_72, %div3A_66 : vector<2048x16xi1>, vector<2048x16xf32>
      %argmax3A_74 = tpu.reduce_index %select_n3A_73 {axis = 1 : i32, kind = #tpu.reduction_kind<arg_max>} : vector<2048x16xf32> -> vector<2048xi32>
      %broadcast_in_dim3A_75 = vector.shape_cast %argmax3A_74 : vector<2048xi32> to vector<2048x1xi32>
      %eq3A_76 = vector.broadcast %broadcast_in_dim3A_75 : vector<2048x1xi32> to vector<2048x16xi32>
      %eq3A_77 = arith.cmpi eq, %iota3A_67, %eq3A_76 : vector<2048x16xi32>
      %convert_element_type3A_78 = arith.extui %eq3A_70 : vector<2048x16xi1> to vector<2048x16xi32>
      %convert_element_type3A_79 = arith.sitofp %convert_element_type3A_78 : vector<2048x16xi32> to vector<2048x16xf32>
      %convert_element_type3A_80 = arith.extui %eq3A_77 : vector<2048x16xi1> to vector<2048x16xi32>
      %convert_element_type3A_81 = arith.sitofp %convert_element_type3A_80 : vector<2048x16xi32> to vector<2048x16xf32>
      %iota3A_82 = tpu.iota {dimensions = array<i32: 0>} : vector<2048x2048xi32>
      %iota3A_83 = tpu.iota {dimensions = array<i32: 1>} : vector<2048x2048xi32>
      %ge3A = arith.cmpi sge, %iota3A_82, %iota3A_83 : vector<2048x2048xi32>
      %convert_element_type3A_84 = arith.extui %ge3A : vector<2048x2048xi1> to vector<2048x2048xi32>
      %convert_element_type3A_85 = arith.sitofp %convert_element_type3A_84 : vector<2048x2048xi32> to vector<2048x2048xf32>
      %convert_element_type3A_86 = arith.truncf %convert_element_type3A_85 : vector<2048x2048xf32> to vector<2048x2048xbf16>
      %convert_element_type3A_87 = arith.extui %eq3A_70 : vector<2048x16xi1> to vector<2048x16xi32>
      %convert_element_type3A_88 = arith.sitofp %convert_element_type3A_87 : vector<2048x16xi32> to vector<2048x16xf32>
      %convert_element_type3A_89 = arith.truncf %convert_element_type3A_88 : vector<2048x16xf32> to vector<2048x16xbf16>
      %convert_element_type3A_90 = arith.extui %eq3A_77 : vector<2048x16xi1> to vector<2048x16xi32>
      %convert_element_type3A_91 = arith.sitofp %convert_element_type3A_90 : vector<2048x16xi32> to vector<2048x16xf32>
      %convert_element_type3A_92 = arith.truncf %convert_element_type3A_91 : vector<2048x16xf32> to vector<2048x16xbf16>
      %concatenate3A = tpu.concatenate %convert_element_type3A_89, %convert_element_type3A_92 in 1 : vector<2048x16xbf16>, vector<2048x16xbf16> -> vector<2048x32xbf16>
      %dot_general3A_93 = arith.constant dense<0.000000e+00> : vector<2048x32xf32>
      %dot_general3A_94 = tpu.matmul %convert_element_type3A_86, %concatenate3A, %dot_general3A_93 {dimension_numbers = #tpu.dot_dimension_numbers<[1], [0], [0], [1], [0, 0, 1, 1], [], []>, transpose_lhs_hint = false} : vector<2048x2048xbf16>, vector<2048x32xbf16>, vector<2048x32xf32> -> vector<2048x32xf32>
      %slice3A_95 = vector.extract_strided_slice %dot_general3A_94 {offsets = [0, 0], sizes = [2048, 16], strides = [1, 1]} : vector<2048x32xf32> to vector<2048x16xf32>
      %sub3A_96 = arith.constant 1.000000e+00 : f32
      %sub3A_97 = vector.broadcast %sub3A_96 : f32 to vector<2048x16xf32>
      %sub3A_98 = arith.subf %slice3A_95, %sub3A_97 : vector<2048x16xf32>
      %slice3A_99 = vector.extract_strided_slice %dot_general3A_94 {offsets = [2047, 0], sizes = [1, 16], strides = [1, 1]} : vector<2048x32xf32> to vector<1x16xf32>
      %slice3A_100 = vector.extract_strided_slice %dot_general3A_94 {offsets = [0, 16], sizes = [2048, 16], strides = [1, 1]} : vector<2048x32xf32> to vector<2048x16xf32>
      %sub3A_101 = arith.constant 1.000000e+00 : f32
      %sub3A_102 = vector.broadcast %sub3A_101 : f32 to vector<2048x16xf32>
      %sub3A_103 = arith.subf %slice3A_100, %sub3A_102 : vector<2048x16xf32>
      %add3A_104 = vector.broadcast %slice3A_99 : vector<1x16xf32> to vector<2048x16xf32>
      %add3A_105 = arith.addf %sub3A_103, %add3A_104 : vector<2048x16xf32>
      %reduce_sum3A_106 = arith.constant dense<0.000000e+00> : vector<16xf32>
      %reduce_sum3A_107 = vector.multi_reduction <add>, %div3A_66, %reduce_sum3A_106 [0] : vector<2048x16xf32> to vector<16xf32>
      %broadcast_in_dim3A_108 = vector.shape_cast %reduce_sum3A_107 : vector<16xf32> to vector<1x16xf32>
      %div3A_109 = arith.constant 2.048000e+03 : f32
      %div3A_110 = vector.broadcast %div3A_109 : f32 to vector<1x16xf32>
      %div3A_111 = arith.divf %broadcast_in_dim3A_108, %div3A_110 : vector<1x16xf32>
      %reduce_sum3A_112 = arith.constant dense<0.000000e+00> : vector<16xf32>
      %reduce_sum3A_113 = vector.multi_reduction <add>, %convert_element_type3A_79, %reduce_sum3A_112 [0] : vector<2048x16xf32> to vector<16xf32>
      %broadcast_in_dim3A_114 = vector.shape_cast %reduce_sum3A_113 : vector<16xf32> to vector<1x16xf32>
      %div3A_115 = arith.constant 2.048000e+03 : f32
      %div3A_116 = vector.broadcast %div3A_115 : f32 to vector<1x16xf32>
      %div3A_117 = arith.divf %broadcast_in_dim3A_114, %div3A_116 : vector<1x16xf32>
      %mul3A_118 = arith.mulf %div3A_111, %div3A_117 : vector<1x16xf32>
      %reduce_sum3A_119 = vector.shape_cast %mul3A_118 : vector<1x16xf32> to vector<1x1x16xf32>
      %reduce_sum3A_120 = arith.constant dense<0.000000e+00> : vector<1xf32>
      %reduce_sum3A_121 = vector.multi_reduction <add>, %reduce_sum3A_119, %reduce_sum3A_120 [1, 2] : vector<1x1x16xf32> to vector<1xf32>
      %reduce_sum3A_122 = vector.shape_cast %reduce_sum3A_121 : vector<1xf32> to vector<1x1x1xf32>
      %reduce_sum3A_123 = vector.extract %reduce_sum3A_122[0, 0, 0] : f32 from vector<1x1x1xf32>
      %mul3A_124 = arith.constant 1.600000e+01 : f32
      %mul3A_125 = arith.mulf %reduce_sum3A_123, %mul3A_124 : f32
      %swap3A_126 = arith.constant 0 : index
      %swap3A_127 = arith.constant 0 : index
      %swap3A_128 = memref.load %arg3[%swap3A_126, %swap3A_127] : memref<1x1xf32, #tpu.memory_space<smem>>
      memref.store %mul3A_125, %arg3[%swap3A_126, %swap3A_127] : memref<1x1xf32, #tpu.memory_space<smem>>
      %lt3A = arith.constant 2.560000e+02 : f32
      %lt3A_129 = vector.broadcast %lt3A : f32 to vector<2048x16xf32>
      %lt3A_130 = arith.cmpf olt, %sub3A_98, %lt3A_129 : vector<2048x16xf32>
      %convert_element_type3A_131 = arith.extui %lt3A_130 : vector<2048x16xi1> to vector<2048x16xi32>
      %convert_element_type3A_132 = arith.sitofp %convert_element_type3A_131 : vector<2048x16xi32> to vector<2048x16xf32>
      %mul3A_133 = arith.mulf %convert_element_type3A_79, %convert_element_type3A_132 : vector<2048x16xf32>
      %lt3A_134 = arith.constant 2.560000e+02 : f32
      %lt3A_135 = vector.broadcast %lt3A_134 : f32 to vector<2048x16xf32>
      %lt3A_136 = arith.cmpf olt, %add3A_105, %lt3A_135 : vector<2048x16xf32>
      %convert_element_type3A_137 = arith.extui %lt3A_136 : vector<2048x16xi1> to vector<2048x16xi32>
      %convert_element_type3A_138 = arith.sitofp %convert_element_type3A_137 : vector<2048x16xi32> to vector<2048x16xf32>
      %mul3A_139 = arith.mulf %convert_element_type3A_81, %convert_element_type3A_138 : vector<2048x16xf32>
      %mul3A_140 = arith.mulf %sub3A_98, %mul3A_133 : vector<2048x16xf32>
      %reduce_sum3A_141 = arith.constant dense<0.000000e+00> : vector<2048xf32>
      %reduce_sum3A_142 = vector.multi_reduction <add>, %mul3A_140, %reduce_sum3A_141 [1] : vector<2048x16xf32> to vector<2048xf32>
      %broadcast_in_dim3A_143 = vector.shape_cast %reduce_sum3A_142 : vector<2048xf32> to vector<2048x1xf32>
      %mul3A_144 = arith.mulf %add3A_105, %mul3A_139 : vector<2048x16xf32>
      %reduce_sum3A_145 = arith.constant dense<0.000000e+00> : vector<2048xf32>
      %reduce_sum3A_146 = vector.multi_reduction <add>, %mul3A_144, %reduce_sum3A_145 [1] : vector<2048x16xf32> to vector<2048xf32>
      %broadcast_in_dim3A_147 = vector.shape_cast %reduce_sum3A_146 : vector<2048xf32> to vector<2048x1xf32>
      %mul3A_148 = arith.mulf %div3A_66, %mul3A_133 : vector<2048x16xf32>
      %reduce_max3A_149 = arith.constant dense<0xFF800000> : vector<2048xf32>
      %reduce_max3A_150 = vector.multi_reduction <maximumf>, %mul3A_148, %reduce_max3A_149 [1] : vector<2048x16xf32> to vector<2048xf32>
      %broadcast_in_dim3A_151 = vector.shape_cast %reduce_max3A_150 : vector<2048xf32> to vector<2048x1xf32>
      %mul3A_152 = arith.mulf %div3A_66, %mul3A_139 : vector<2048x16xf32>
      %reduce_max3A_153 = arith.constant dense<0xFF800000> : vector<2048xf32>
      %reduce_max3A_154 = vector.multi_reduction <maximumf>, %mul3A_152, %reduce_max3A_153 [1] : vector<2048x16xf32> to vector<2048xf32>
      %broadcast_in_dim3A_155 = vector.shape_cast %reduce_max3A_154 : vector<2048xf32> to vector<2048x1xf32>
      %add3A_156 = arith.addf %broadcast_in_dim3A_151, %broadcast_in_dim3A_155 : vector<2048x1xf32>
      %max3A = arith.constant 1.1920929E-7 : f32
      %max3A_157 = vector.broadcast %max3A : f32 to vector<2048x1xf32>
      %max3A_158 = arith.maximumf %add3A_156, %max3A_157 : vector<2048x1xf32>
      %div3A_159 = arith.divf %broadcast_in_dim3A_151, %max3A_158 : vector<2048x1xf32>
      %div3A_160 = arith.divf %broadcast_in_dim3A_155, %max3A_158 : vector<2048x1xf32>
      %broadcast_in_dim3A_161 = vector.shape_cast %argmax3A : vector<2048xi32> to vector<2048x1xi32>
      %convert_element_type3A_162 = arith.sitofp %broadcast_in_dim3A_161 : vector<2048x1xi32> to vector<2048x1xf32>
      %broadcast_in_dim3A_163 = vector.shape_cast %argmax3A_74 : vector<2048xi32> to vector<2048x1xi32>
      %convert_element_type3A_164 = arith.sitofp %broadcast_in_dim3A_163 : vector<2048x1xi32> to vector<2048x1xf32>
      %broadcast_in_dim3A_165 = arith.constant 0.000000e+00 : f32
      %broadcast_in_dim3A_166 = vector.broadcast %broadcast_in_dim3A_165 : f32 to vector<2048x2xf32>
      %concatenate3A_167 = tpu.concatenate %div3A_159, %div3A_160, %broadcast_in_dim3A_143, %broadcast_in_dim3A_147, %convert_element_type3A_162, %convert_element_type3A_164, %broadcast_in_dim3A_166 in 1 : vector<2048x1xf32>, vector<2048x1xf32>, vector<2048x1xf32>, vector<2048x1xf32>, vector<2048x1xf32>, vector<2048x1xf32>, vector<2048x2xf32> -> vector<2048x8xf32>
      %swap3A_168 = arith.constant 0 : index
      %swap3A_169 = arith.constant 0 : index
      %swap3A_170 = vector.load %arg7[%swap3A_168, %swap3A_169] : memref<2048x8xf32, #tpu.memory_space<vmem>>, vector<2048x8xf32>
      tpu.vector_store %arg7[%swap3A_168, %swap3A_169], %concatenate3A_167 {strides = array<i32>} : memref<2048x8xf32, #tpu.memory_space<vmem>>, vector<2048x8xf32>,
      %iota3A_171 = tpu.iota {dimensions = array<i32: 0>} : vector<2048x1xi32>
      %mul3A_172 = arith.constant 4096 : i32
      %mul3A_173 = vector.broadcast %mul3A_172 : i32 to vector<2048x1xi32>
      %mul3A_174 = arith.muli %iota3A_171, %mul3A_173 : vector<2048x1xi32>
      %broadcast_in_dim3A_175 = vector.shape_cast %argmax3A : vector<2048xi32> to vector<2048x1xi32>
      %mul3A_176 = arith.constant 256 : i32
      %mul3A_177 = vector.broadcast %mul3A_176 : i32 to vector<2048x1xi32>
      %mul3A_178 = arith.muli %broadcast_in_dim3A_175, %mul3A_177 : vector<2048x1xi32>
      %add3A_179 = arith.addi %mul3A_174, %mul3A_178 : vector<2048x1xi32>
      %convert_element_type3A_180 = arith.fptosi %broadcast_in_dim3A_143 : vector<2048x1xf32> to vector<2048x1xi32>
      %add3A_181 = arith.addi %add3A_179, %convert_element_type3A_180 : vector<2048x1xi32>
      %broadcast_in_dim3A_182 = vector.shape_cast %argmax3A_74 : vector<2048xi32> to vector<2048x1xi32>
      %mul3A_183 = arith.constant 256 : i32
      %mul3A_184 = vector.broadcast %mul3A_183 : i32 to vector<2048x1xi32>
      %mul3A_185 = arith.muli %broadcast_in_dim3A_182, %mul3A_184 : vector<2048x1xi32>
      %add3A_186 = arith.addi %mul3A_174, %mul3A_185 : vector<2048x1xi32>
      %convert_element_type3A_187 = arith.fptosi %broadcast_in_dim3A_147 : vector<2048x1xf32> to vector<2048x1xi32>
      %add3A_188 = arith.addi %add3A_186, %convert_element_type3A_187 : vector<2048x1xi32>
      %concatenate3A_189 = tpu.concatenate %add3A_181, %add3A_188 in 1 : vector<2048x1xi32>, vector<2048x1xi32> -> vector<2048x2xi32>
      %swap3A_190 = arith.constant 0 : index
      %swap3A_191 = arith.constant 0 : index
      %swap3A_192 = vector.load %arg5[%swap3A_190, %swap3A_191] : memref<2048x2xi32, #tpu.memory_space<vmem>>, vector<2048x2xi32>
      tpu.vector_store %arg5[%swap3A_190, %swap3A_191], %concatenate3A_189 {strides = array<i32>} : memref<2048x2xi32, #tpu.memory_space<vmem>>, vector<2048x2xi32>,
      %concatenate3A_193 = tpu.concatenate %div3A_159, %div3A_160 in 1 : vector<2048x1xf32>, vector<2048x1xf32> -> vector<2048x2xf32>
      %swap3A_194 = arith.constant 0 : index
      %swap3A_195 = arith.constant 0 : index
      %swap3A_196 = vector.load %arg6[%swap3A_194, %swap3A_195] : memref<2048x2xf32, #tpu.memory_space<vmem>>, vector<2048x2xf32>
      tpu.vector_store %arg6[%swap3A_194, %swap3A_195], %concatenate3A_193 {strides = array<i32>} : memref<2048x2xf32, #tpu.memory_space<vmem>>, vector<2048x2xf32>,
    } else {
    }
    %mul3A = arith.constant 256 : i32
    %mul3A_2 = arith.muli %arg0, %mul3A : i32
    %get3A = arith.index_cast %mul3A_2 : i32 to index
    %get3A_3 = arith.constant 0 : index
    %get3A_4 = vector.load %arg7[%get3A, %get3A_3] : memref<2048x8xf32, #tpu.memory_space<vmem>>, vector<256x8xf32>
    %slice3A = vector.extract_strided_slice %get3A_4 {offsets = [0, 0], sizes = [256, 1], strides = [1, 1]} : vector<256x8xf32> to vector<256x1xf32>
    %slice3A_5 = vector.extract_strided_slice %get3A_4 {offsets = [0, 1], sizes = [256, 1], strides = [1, 1]} : vector<256x8xf32> to vector<256x1xf32>
    %slice3A_6 = vector.extract_strided_slice %get3A_4 {offsets = [0, 2], sizes = [256, 1], strides = [1, 1]} : vector<256x8xf32> to vector<256x1xf32>
    %slice3A_7 = vector.extract_strided_slice %get3A_4 {offsets = [0, 3], sizes = [256, 1], strides = [1, 1]} : vector<256x8xf32> to vector<256x1xf32>
    %slice3A_8 = vector.extract_strided_slice %get3A_4 {offsets = [0, 4], sizes = [256, 1], strides = [1, 1]} : vector<256x8xf32> to vector<256x1xf32>
    %slice3A_9 = vector.extract_strided_slice %get3A_4 {offsets = [0, 5], sizes = [256, 1], strides = [1, 1]} : vector<256x8xf32> to vector<256x1xf32>
    %iota3A = tpu.iota {dimensions = array<i32: 1>} : vector<256x16xi32>
    %convert_element_type3A_10 = arith.sitofp %iota3A : vector<256x16xi32> to vector<256x16xf32>
    %iota3A_11 = tpu.iota {dimensions = array<i32: 1>} : vector<256x256xi32>
    %convert_element_type3A_12 = arith.sitofp %iota3A_11 : vector<256x256xi32> to vector<256x256xf32>
    %eq3A_13 = vector.broadcast %slice3A_8 : vector<256x1xf32> to vector<256x16xf32>
    %eq3A_14 = arith.cmpf oeq, %eq3A_13, %convert_element_type3A_10 : vector<256x16xf32>
    %gt3A = arith.constant 0.000000e+00 : f32
    %gt3A_15 = vector.broadcast %gt3A : f32 to vector<256x1xf32>
    %gt3A_16 = arith.cmpf ogt, %slice3A, %gt3A_15 : vector<256x1xf32>
    %and3A = vector.broadcast %gt3A_16 : vector<256x1xi1> to vector<256x16xi1>
    %and3A_17 = arith.andi %eq3A_14, %and3A : vector<256x16xi1>
    %jit3A = arith.constant 1.000000e+00 : f32
    %jit3A_18 = arith.constant 0.000000e+00 : f32
    %broadcast_in_dim3A = vector.broadcast %jit3A : f32 to vector<256x16xf32>
    %broadcast_in_dim3A_19 = vector.broadcast %jit3A_18 : f32 to vector<256x16xf32>
    %select_n3A = arith.select %and3A_17, %broadcast_in_dim3A, %broadcast_in_dim3A_19 : vector<256x16xi1>, vector<256x16xf32>
    %eq3A_20 = vector.broadcast %slice3A_9 : vector<256x1xf32> to vector<256x16xf32>
    %eq3A_21 = arith.cmpf oeq, %eq3A_20, %convert_element_type3A_10 : vector<256x16xf32>
    %gt3A_22 = arith.constant 0.000000e+00 : f32
    %gt3A_23 = vector.broadcast %gt3A_22 : f32 to vector<256x1xf32>
    %gt3A_24 = arith.cmpf ogt, %slice3A_5, %gt3A_23 : vector<256x1xf32>
    %and3A_25 = vector.broadcast %gt3A_24 : vector<256x1xi1> to vector<256x16xi1>
    %and3A_26 = arith.andi %eq3A_21, %and3A_25 : vector<256x16xi1>
    %jit3A_27 = arith.constant 1.000000e+00 : f32
    %jit3A_28 = arith.constant 0.000000e+00 : f32
    %broadcast_in_dim3A_29 = vector.broadcast %jit3A_27 : f32 to vector<256x16xf32>
    %broadcast_in_dim3A_30 = vector.broadcast %jit3A_28 : f32 to vector<256x16xf32>
    %select_n3A_31 = arith.select %and3A_26, %broadcast_in_dim3A_29, %broadcast_in_dim3A_30 : vector<256x16xi1>, vector<256x16xf32>
    %eq3A_32 = vector.broadcast %slice3A_6 : vector<256x1xf32> to vector<256x256xf32>
    %eq3A_33 = arith.cmpf oeq, %eq3A_32, %convert_element_type3A_12 : vector<256x256xf32>
    %convert_element_type3A_34 = arith.extui %eq3A_33 : vector<256x256xi1> to vector<256x256xi32>
    %convert_element_type3A_35 = arith.sitofp %convert_element_type3A_34 : vector<256x256xi32> to vector<256x256xf32>
    %eq3A_36 = vector.broadcast %slice3A_7 : vector<256x1xf32> to vector<256x256xf32>
    %eq3A_37 = arith.cmpf oeq, %eq3A_36, %convert_element_type3A_12 : vector<256x256xf32>
    %convert_element_type3A_38 = arith.extui %eq3A_37 : vector<256x256xi1> to vector<256x256xi32>
    %convert_element_type3A_39 = arith.sitofp %convert_element_type3A_38 : vector<256x256xi32> to vector<256x256xf32>
    %broadcast_in_dim3A_40 = vector.shape_cast %select_n3A : vector<256x16xf32> to vector<256x16x1xf32>
    %broadcast_in_dim3A_41 = vector.shape_cast %convert_element_type3A_35 : vector<256x256xf32> to vector<256x1x256xf32>
    %mul3A_42 = vector.broadcast %broadcast_in_dim3A_40 : vector<256x16x1xf32> to vector<256x16x256xf32>
    %mul3A_43 = vector.broadcast %broadcast_in_dim3A_41 : vector<256x1x256xf32> to vector<256x16x256xf32>
    %mul3A_44 = arith.mulf %mul3A_42, %mul3A_43 : vector<256x16x256xf32>
    %broadcast_in_dim3A_45 = vector.shape_cast %select_n3A_31 : vector<256x16xf32> to vector<256x16x1xf32>
    %broadcast_in_dim3A_46 = vector.shape_cast %convert_element_type3A_39 : vector<256x256xf32> to vector<256x1x256xf32>
    %mul3A_47 = vector.broadcast %broadcast_in_dim3A_45 : vector<256x16x1xf32> to vector<256x16x256xf32>
    %mul3A_48 = vector.broadcast %broadcast_in_dim3A_46 : vector<256x1x256xf32> to vector<256x16x256xf32>
    %mul3A_49 = arith.mulf %mul3A_47, %mul3A_48 : vector<256x16x256xf32>
    %add3A = arith.addf %mul3A_44, %mul3A_49 : vector<256x16x256xf32>
    %convert_element_type3A_50 = arith.fptosi %add3A : vector<256x16x256xf32> to vector<256x16x256xi8>
    %swap3A = arith.constant 0 : index
    %swap3A_51 = arith.constant 0 : index
    %swap3A_52 = arith.constant 0 : index
    %swap3A_53 = vector.load %arg4[%swap3A, %swap3A_51, %swap3A_52] : memref<256x16x256xi8, #tpu.memory_space<vmem>>, vector<256x16x256xi8>
    tpu.vector_store %arg4[%swap3A, %swap3A_51, %swap3A_52], %convert_element_type3A_50 {strides = array<i32>} : memref<256x16x256xi8, #tpu.memory_space<vmem>>, vector<256x16x256xi8>,
    return
  }
  func.func @transform_0(%arg0: i32) -> (i32, i32) {
    %c0_i32 = arith.constant 0 : i32
    %c0_i32_0 = arith.constant 0 : i32
    %c0_i32_1 = arith.constant 0 : i32
    return %c0_i32, %c0_i32_0 : i32, i32
  }
  func.func @transform_1(%arg0: i32) -> (i32, i32) {
    %c0_i32 = arith.constant 0 : i32
    %c0_i32_0 = arith.constant 0 : i32
    %c0_i32_1 = arith.constant 0 : i32
    return %c0_i32, %c0_i32_0 : i32, i32
  }
  func.func @transform_2(%arg0: i32) -> (i32, i32) {
    %c0_i32 = arith.constant 0 : i32
    %c0_i32_0 = arith.constant 0 : i32
    %c0_i32_1 = arith.constant 0 : i32
    return %c0_i32, %c0_i32_0 : i32, i32
  }
  func.func @transform_3(%arg0: i32) -> (i32, i32, i32) {
    %c0_i32 = arith.constant 0 : i32
    %c0_i32_0 = arith.constant 0 : i32
    %c0_i32_1 = arith.constant 0 : i32
    return %arg0, %c0_i32, %c0_i32_0 : i32, i32, i32
  }
  func.func @transform_4(%arg0: i32) -> (i32, i32) {
    %c0_i32 = arith.constant 0 : i32
    %c0_i32_0 = arith.constant 0 : i32
    %c0_i32_1 = arith.constant 0 : i32
    return %c0_i32, %c0_i32_0 : i32, i32
  }
  func.func @transform_5(%arg0: i32) -> (i32, i32) {
    %c0_i32 = arith.constant 0 : i32
    %c0_i32_0 = arith.constant 0 : i32
    %c0_i32_1 = arith.constant 0 : i32
    return %c0_i32, %c0_i32_0 : i32, i32
  }
}

</mosaic_0001>

<sc_bundles>
// kernel: kernel.5.cloned.1.call-start
scs
__scs_entry_jumppad:
0x0: {  	(pc) =	sbr.rel $0x88, $3  }
0x1: {  	(tag) =	ssettag $0x0;
	lr =	simm.s32 $0x1  }
0x2: {  	[smem:$0x3F9F] =	sst lr;
	_ =	strace $0xD0000000  }
0x3: {  	_ = 	snop  }
0x4: {  	_ = 	snop  }
0x5: {  	_ = 	snop  }
0x6: {  	_ = 	snop  }
0x7: {  	_ = 	snop  }
__scs_overlays_trampoline_lowered:
0x8: {  	[smem:$0x3FAE] =	sst s0  }
0x9: {  	[smem:$0x3FAF] =	sst s1  }
0xa: {  	[smem:$0x3FB0] =	sst s2  }
0xb: {  	[smem:$0x3FB1] =	sst s3  }
0xc: {  	[smem:$0x3FB2] =	sst s4  }
0xd: {  	[smem:$0x3FB3] =	sst s5  }
0xe: {  	[smem:$0x3FB4] =	sst s6  }
0xf: {  	[smem:$0x3FB5] =	sst s7  }
0x10: {  	[smem:$0x3FB6] =	sst s8  }
0x11: {  	[smem:$0x3FB7] =	sst s9;
	s0 =	simm.s32 @!p0 $0x0  }
0x12: {  	s1 =	sld [smem:$0x3F9D];
	s0 =	simm.s32 @p0 $0x1  }
0x13: {  	[smem:$0x3FB8] =	sst s0;
	s0 =	simm.s32 @!p1 $0x0  }
0x14: {  	s2 =	sld [smem:$0x3F9C];
	s0 =	simm.s32 @p1 $0x1  }
0x15: {  	[smem:$0x3FB9] =	sst s0;
	s0 =	simm.s32 @!p2 $0x0  }
0x16: {  	s3 =	sld [smem:$0x3FDB];
	s0 =	simm.s32 @p2 $0x1  }
0x17: {  	s4 =	simm.s32 $0x1BF5;
	[smem:$0x3FBB] =	sst s0  }
0x18: {  	s0 =	sld [smem:$0x3F9E];
	_ =	swait.ge [sflag:s4], $0x0  }
0x19: {  	s7 =	sld [smem:$0x3F9F]  }
0x1a: {  	s8 =	sadd.s32 $0xFFFFE003, lr  }
0x1b: {  	s9 =	sadd.s32 $0xFFFFFEF7, lr;
	s5 =	simm.s32 $0xFFFFFFFF;
	p2 =	slt.u32 s8, $0xFFFFF086  }
0x1c: {  	p1 =	slt.u32 s9, $0xF7A;
	s5 =	simm.s32 @!p2 $0x0  }
0x1d: {  	s5 =	simm.s32 @p1 $0x1;
	p0 =	seq.s32 s7, s2  }
0x1e: {  	s7 =	smul.u32 @!p0 $0xF7A, s2;
	p2 =	seq.s32 @!p0 s5, $0x0  }
0x1f: {  	s9 =	smul.u32 $0xF7A, s1;
	s8 =	simm.s32 @!p0 $0x1BF5;
	p2 =	por !p2, p0  }
0x20: {  	[sflag:s8] =	ssyncset.s32 @!p0 $0xFFFFF086;
	s6 =	sadd.s32 @!p0 s3, s7;
	s7 =	simm.s32 @!p0 $0x108  }
0x21: {  	s3 =	sadd.s32 s3, s9;
	s6 =	sadd.s32 @!p0 $0x88, s6;
	s7 =	simm.s32 @p2 $0x1082  }
0x22: {  	[simem:s7], [sflag:s8] =	dma.local @!p0 [hbm:s6], $0xF7A  }
0x23: {  	s9 =	sor.u32 $0xD0000000, s2;
	s6 =	simm.s32 $0x108;
	_ =	swait.ge @!p0 [sflag:s8], $0x0  }
0x24: {  	s3 =	sadd.s32 $0x88, s3;
	s6 =	simm.s32 @!p1 $0x1082;
	[sflag:s4] =	ssyncset.s32 $0xFFFFF086  }
0x25: {  	[simem:s6], [sflag:s4] =	dma.local [hbm:s3], $0xF7A  }
0x26: {  	[smem:$0x3F9F] =	sst s1;
	(tag) =	ssettag s2;
	_ =	strace s9  }
0x27: {  	s1 =	sld [smem:$0x3FAF]  }
0x28: {  	s2 =	sld [smem:$0x3FB0]  }
0x29: {  	s4 =	sld [smem:$0x3FB2]  }
0x2a: {  	p0 =	seq.s32 s5, $0x0;
	s5 =	sld [smem:$0x3FB3]  }
0x2b: {  	s6 =	sld [smem:$0x3FB4]  }
0x2c: {  	s7 =	sld [smem:$0x3FB5]  }
0x2d: {  	s3 =	simm.s32 $0x108;
	s8 =	sld [smem:$0x3FB6]  }
0x2e: {  	s3 =	simm.s32 @!p0 $0x1082;
	s9 =	sld [smem:$0x3FB7]  }
0x2f: {  	lr =	sadd.s32 s0, s3;
	s0 =	sld [smem:$0x3FAE]  }
0x30: {  	s3 =	sld [smem:$0x3FB1]  }
0x31: {  	[smem:$0x3FBA] =	sst s10  }
0x32: {  	s10 =	sld [smem:$0x3FB8];
	_ =	sdelay $0x3  }
0x33: {  	p0 =	seq.s32 s10, $0x1;
	s10 =	sld [smem:$0x3FBA];
	_ =	sdelay $0x3  }
0x34: {  	[smem:$0x3FBA] =	sst s10  }
0x35: {  	s10 =	sld [smem:$0x3FB9];
	_ =	sdelay $0x3  }
0x36: {  	p1 =	seq.s32 s10, $0x1;
	s10 =	sld [smem:$0x3FBA];
	_ =	sdelay $0x3  }
0x37: {  	[smem:$0x3FBA] =	sst s10  }
0x38: {  	s10 =	sld [smem:$0x3FBB]  }
0x39: {  	_ = 	snop;
	(pc) =	sbr.ind lr, $3  }
0x3a: {  	_ = 	snop  }
0x3b: {  	_ = 	snop  }
0x3c: {  	p2 =	seq.s32 s10, $0x1;
	s10 =	sld [smem:$0x3FBA]  }
0x3d: {  	_ =	shalt  }
0x3e: {  	_ =	shalt  }
0x3f: {  	_ =	shalt  }
0x40: {  	_ =	shalt  }
0x41: {  	_ =	shalt  }
0x42: {  	_ =	shalt  }
0x43: {  	_ =	shalt  }
0x44: {  	_ =	shalt  }
0x45: {  	_ =	shalt  }
0x46: {  	_ =	shalt  }
0x47: {  	_ =	shalt  }
0x48: {  	_ =	shalt  }
0x49: {  	_ =	shalt  }
0x4a: {  	_ =	shalt  }
0x4b: {  	_ =	shalt  }
0x4c: {  	_ =	shalt  }
0x4d: {  	_ =	shalt  }
0x4e: {  	_ =	shalt  }
0x4f: {  	_ =	shalt  }
0x50: {  	_ =	shalt  }
0x51: {  	_ =	shalt  }
0x52: {  	_ =	shalt  }
0x53: {  	_ =	shalt  }
0x54: {  	_ =	shalt  }
0x55: {  	_ =	shalt  }
0x56: {  	_ =	shalt  }
0x57: {  	_ =	shalt  }
0x58: {  	_ =	shalt  }
0x59: {  	_ =	shalt  }
0x5a: {  	_ =	shalt  }
0x5b: {  	_ =	shalt  }
0x5c: {  	_ =	shalt  }
0x5d: {  	_ =	shalt  }
0x5e: {  	_ =	shalt  }
0x5f: {  	_ =	shalt  }
0x60: {  	_ =	shalt  }
0x61: {  	_ =	shalt  }
0x62: {  	_ =	shalt  }
0x63: {  	_ =	shalt  }
0x64: {  	_ =	shalt  }
0x65: {  	_ =	shalt  }
0x66: {  	_ =	shalt  }
0x67: {  	_ =	shalt  }
0x68: {  	_ =	shalt  }
0x69: {  	_ =	shalt  }
0x6a: {  	_ =	shalt  }
0x6b: {  	_ =	shalt  }
0x6c: {  	_ =	shalt  }
0x6d: {  	_ =	shalt  }
0x6e: {  	_ =	shalt  }
0x6f: {  	_ =	shalt  }
0x70: {  	_ =	shalt  }
0x71: {  	_ =	shalt  }
0x72: {  	_ =	shalt  }
0x73: {  	_ =	shalt  }
0x74: {  	_ =	shalt  }
0x75: {  	_ =	shalt  }
0x76: {  	_ =	shalt  }
0x77: {  	_ =	shalt  }
0x78: {  	_ =	shalt  }
0x79: {  	_ =	shalt  }
0x7a: {  	_ =	shalt  }
0x7b: {  	_ =	shalt  }
0x7c: {  	_ =	shalt  }
0x7d: {  	_ =	shalt  }
0x7e: {  	_ =	shalt  }
0x7f: {  	_ =	shalt  }
0x80: {  	_ =	shalt  }
0x81: {  	_ =	shalt  }
0x82: {  	_ =	shalt  }
0x83: {  	_ =	shalt  }
0x84: {  	_ =	shalt  }
0x85: {  	_ =	shalt  }
0x86: {  	_ =	shalt  }
0x87: {  	_ =	shalt  }
.Lfunc_end0:
.L_simem_size_0:
called_computation_lowered:
.L_overlay_start_0:
0x88: {  	s2 =	sld [smem:$0x3FD9]  }
0x89: {  	s3 =	sld [smem:$0x3FFE];
	_ =	sdelay $0x1  }
0x8a: {  	s1 =	srdreg.scid  }
0x8b: {  	s0 =	sand.u32 $0x1, s1  }
0x8c: {  	s15 =	sshll.u32 s0, $0xA;
	s2 =	sadd.s32 s3, s2  }
0x8d: {  	s2 =	sadd.s32 s2, s15  }
0x8e: {  	[smem:$0x3FC6] =	sst s2  }
0x8f: {  	_ = 	snop  }
0x90: {  	s2 =	sld [smem:$0x3FD0];
	_ =	sdelay $0x2  }
0x91: {  	s16 =	simm.s32 $0xA;
	s4 =	simm.s32 $0x10  }
0x92: {  	[smem:s4], [sflag:s16] =	dma.local [hbm:s2], $0x1  }
0x93: {  	_ =	swait.eq [sflag:s16], $0x1  }
0x94: {  	[sflag:s16] =	ssyncset.done $0x0  }
0x95: {  	[sflag:s16] =	ssyncadd.s32 $0xFFFFFFFF  }
0x96: {  	s17 =	sld [smem:$0x11];
	(tm) =	ssettm $0x1  }
0x97: {  	s18 =	sld [smem:$0x3FFB];
	_ =	sdelay $0x3  }
0x98: {  	_ =	strace s18  }
0x99: {  	s3 =	sld [smem:$0x3FFC];
	_ =	sdelay $0x3  }
0x9a: {  	_ =	strace s3  }
0x9b: {  	s3 =	sld [smem:$0x3FFD];
	_ =	sdelay $0x3  }
0x9c: {  	_ =	strace s3  }
0x9d: {  	_ =	strace $0x8FFFFFFF  }
0x9e: {  	s19 =	sld [smem:$0x3FDB];
	_ =	sdelay $0x1  }
0x9f: {  	s20 =	simm.s32 $_scs_section_size  }
0xa0: {  	s5 =	simm.s32 $_size__tile_overlayer_lowered;
	s6 =	simm.s32 $_tile_overlayer_lowered  }
0xa1: {  	s23 =	simm.s32 $0x1BFF;
	s22 =	sshll.u32 s6, $0x1;
	s3 =	sadd.s32 s20, s19  }
0xa2: {  	s7 =	simm.s32 $0x0;
	s21 =	sshll.u32 s5, $0x1;
	s5 =	sadd.s32 s22, s3  }
0xa3: {  	[timem:s7], [sflag:s23] =	dma.local [hbm:s5], s21  }
0xa4: {  	_ =	swait.ge [sflag:s23], s21  }
0xa5: {  	s4 =	ssub.s32 $0x0, s21;
	[sflag:s23] =	ssyncset.done $0x0  }
0xa6: {  	[sflag:s23] =	ssyncadd.s32 s4;
	_ =	sdelay $0x1  }
0xa7: {  	s24 =	simm.s32 $0x1B8B  }
0xa8: {  	_ =	swait.ge [sflag:s24], $0x1  }
0xa9: {  	[sflag:s24] =	ssyncset.done $0x0  }
0xaa: {  	s25 =	simm.s32 $0x1B8E;
	[sflag:s24] =	ssyncadd.s32 $0xFFFFFFFF  }
0xab: {  	s26 =	simm.s32 $execute0_lowered;
	[smem:$0x3FD2] =	sst s25  }
0xac: {  	s4 =	sshll.u32 s26, $0x1;
	_ =	strace $0x80000046;
	[dreg:$0x1] =	wrdreg $0xFFFFFFFF  }
0xad: {  	s28 =	simm.s32 $_size_execute0_lowered;
	s3 =	sadd.s32 s3, s4;
	[dreg:$0x0] =	wrdreg $0x0  }
0xae: {  	s4 =	sshll.u32 s28, $0x1;
	[dreg:$0x2] =	wrdreg s3  }
0xaf: {  	[dreg:$0x3] =	wrdreg s4  }
0xb0: {  	[dreg:$0x4] =	wrdreg $0xC0  }
0xb1: {  	_ =	task [dreg:s7], $0x5FFFF  }
0xb2: {  	[dreg:$0x1] =	wrdreg $0xFFFFFFFF  }
0xb3: {  	[dreg:$0x0] =	wrdreg $0x60  }
0xb4: {  	[dreg:$0x2] =	wrdreg s17  }
0xb5: {  	[dreg:$0x3] =	wrdreg $0x9  }
0xb6: {  	_ =	task.clear_ibuf [dreg:s7], $0x4FFFF;
	_ =	strace $0x90000046  }
0xb7: {  	s29 =	simm.s32 $0x9;
	_ =	strace $0x80000048  }
0xb8: {  	_ =	swait.ge [sflag:s29], $0x1  }
0xb9: {  	[sflag:s29] =	ssyncadd.s32 $0xFFFFFFFF  }
0xba: {  	_ =	strace $0x90000048  }
0xbb: {  	_ =	sfence  }
0xbc: {  	s30 =	sld [smem:$0x0];
	_ =	sdelay $0x2  }
0xbd: {  	s31 =	sshll.u32 s1, $0xD;
	s1 =	sshrl.u32 s1, $0x2  }
0xbe: {  	s3 =	sand.u32 $0x4000, s31;
	s1 =	sadd.s32 s1, s30  }
0xbf: {  	s0 =	sor.u32 s3, s0;
	s1 =	sshll.u32 s1, $0x11  }
0xc0: {  	s0 =	sor.u32 s1, s0  }
0xc1: {  	s0 =	sadd.s32 $0x8F2B, s0  }
0xc2: {  	[sflag:s0] =	ssyncadd.remote.s32 $0x1  }
0xc3: {  	_ =	sfence.sel $0xFFFF  }
0xc4: {  	[dreg:$0x0] =	wrdreg $0xFFFFFFFF;
	(pc) =	sbr.abs _section_cstart, $3  }
0xc5: {  	[dreg:$0x1] =	wrdreg $0xFFFFFFFF  }
0xc6: {  	_ =	task.clear_ibuf [dreg:s7], $0x2FFFF;
	_ =	strace $0x9FFFFFFF  }
0xc7: {  	(tm) =	ssettm $0x7FFFFFFF  }
tec
execute0_lowered:
.L_overlay_start_1:
0x0: {  	(tag) =	ssettag $0x1  }
0x1: {  	s3 =	rddreg [dreg:$0x0]  }
0x2: {  	s0 =	rddreg [dreg:$0x1];
	s4 =	srdreg.scid  }
0x3: {  	s2 =	simm.s32 $0x0;
	s1 =	stileid.u32;
	s4 =	sand.u32 $0x1, s4  }
0x4: {  	s6 =	sshll.u32 s1, $0x10;
	s5 =	ssub.s32 $0x2, s4;
	s4 =	sshll.u32 s4, $0xF  }
0x5: {  	s8 =	simm.s32 $0x1;
	s9 =	simm.s32 $0x0;
	s4 =	sor.u32 s4, s6  }
0x6: {  	[smem:$0x7FF] =	sst s2;
	s7 =	sshrl.u32 s5, $0x1;
	s3 =	sadd.s32 s3, s4  }
0x7: {  	_ =	strace $0x80000047;
	s7 =	ssub.s32 s5, s7;
	s4 =	sadd.s32 $0x2000, s3  }
0x8: {  	v0 =	vimm.f32 $0.0e+00;
	s5 =	sadd.s32 $0x4000, s3;
	s6 =	sadd.s32 $0x6000, s3;
	s7 =	smax.u32 s7, $0x1  }
.LBB2_1:
0x9: {  	s10 =	sand.u32 $0xF800, s2;
	s11 =	sand.u32 $0x380, s2  }
0xa: {  	s10 =	sor.u32 s11, s10  }
0xb: {  	[tilespmem:s10+$0x470] =	vst v0  }
0xc: {  	[tilespmem:s10+$0x0] =	vst v0  }
0xd: {  	[tilespmem:s10+$0x10] =	vst v0  }
0xe: {  	[tilespmem:s10+$0x20] =	vst v0  }
0xf: {  	[tilespmem:s10+$0x30] =	vst v0  }
0x10: {  	[tilespmem:s10+$0x40] =	vst v0  }
0x11: {  	[tilespmem:s10+$0x50] =	vst v0  }
0x12: {  	[tilespmem:s10+$0x60] =	vst v0  }
0x13: {  	[tilespmem:s10+$0x70] =	vst v0  }
0x14: {  	[tilespmem:s10+$0x400] =	vst v0  }
0x15: {  	[tilespmem:s10+$0x410] =	vst v0  }
0x16: {  	[tilespmem:s10+$0x420] =	vst v0  }
0x17: {  	[tilespmem:s10+$0x430] =	vst v0  }
0x18: {  	s12 =	simm.s32 $0x100;
	s11 =	simm.s32 $0x80;
	[tilespmem:s10+$0x440] =	vst v0  }
0x19: {  	s13 =	sand.u32 $0xF800, s12;
	s12 =	simm.s32 $0x200;
	s14 =	sand.u32 $0x380, s11;
	[tilespmem:s10+$0x450] =	vst v0  }
.LBB2_2:
0x1a: {  	p0 =	sne.s32 s12, $0xFF00;
	[tilespmem:s10+$0x460] =	vst v0;
	s10 =	sor.u32 s14, s13  }
0x1b: {  	[tilespmem:s10+$0x470] =	vst v0  }
0x1c: {  	[tilespmem:s10+$0x0] =	vst v0  }
0x1d: {  	[tilespmem:s10+$0x10] =	vst v0  }
0x1e: {  	[tilespmem:s10+$0x20] =	vst v0  }
0x1f: {  	[tilespmem:s10+$0x30] =	vst v0  }
0x20: {  	[tilespmem:s10+$0x40] =	vst v0  }
0x21: {  	[tilespmem:s10+$0x50] =	vst v0  }
0x22: {  	[tilespmem:s10+$0x60] =	vst v0  }
0x23: {  	[tilespmem:s10+$0x70] =	vst v0  }
0x24: {  	[tilespmem:s10+$0x400] =	vst v0  }
.Ltmp0:
0x25: {  	[tilespmem:s10+$0x410] =	vst v0;
	(pc) =	sbr.rel @p0 .LBB2_2-.Ltmp0, $4  }
0x26: {  	[tilespmem:s10+$0x420] =	vst v0  }
0x27: {  	[tilespmem:s10+$0x430] =	vst v0  }
0x28: {  	s11 =	sadd.s32 $0x80, s11;
	[tilespmem:s10+$0x440] =	vst v0  }
0x29: {  	s13 =	sand.u32 $0xF800, s12;
	s12 =	sadd.s32 $0x100, s12;
	s14 =	sand.u32 $0x380, s11;
	[tilespmem:s10+$0x450] =	vst v0  }
0x2a: {  	s11 =	sor.u32 s14, s13;
	[tilespmem:s10+$0x460] =	vst v0  }
0x2b: {  	[tilespmem:s11+$0x470] =	vst v0  }
0x2c: {  	[tilespmem:s11+$0x0] =	vst v0  }
0x2d: {  	[tilespmem:s11+$0x10] =	vst v0  }
0x2e: {  	[tilespmem:s11+$0x20] =	vst v0  }
0x2f: {  	[tilespmem:s11+$0x30] =	vst v0  }
0x30: {  	[tilespmem:s11+$0x40] =	vst v0  }
0x31: {  	[tilespmem:s11+$0x50] =	vst v0  }
0x32: {  	[tilespmem:s11+$0x60] =	vst v0  }
0x33: {  	[tilespmem:s11+$0x70] =	vst v0  }
0x34: {  	[tilespmem:s11+$0x400] =	vst v0  }
0x35: {  	[tilespmem:s11+$0x410] =	vst v0  }
0x36: {  	[tilespmem:s11+$0x420] =	vst v0  }
0x37: {  	[tilespmem:s11+$0x430] =	vst v0  }
0x38: {  	[tilespmem:s11+$0x440] =	vst v0  }
0x39: {  	[tilespmem:s11+$0x450] =	vst v0  }
0x3a: {  	[tilespmem:s11+$0x460] =	vst v0  }
0x3b: {  	[hbm4b:s3+s2] =	stream.linear.scatter [tilespmem:s2], [sflag:$0x1], $0x10000, $0x38;
	[tilespmem:$0x10000] =	vst v63  }
0x3c: {  	_ = 	snop  }
0x3d: {  	[hbm4b:s4+s2] =	stream.linear.scatter [tilespmem:s2], [sflag:$0x1], $0x10000, $0x38;
	[tilespmem:$0x10000] =	vst v63  }
0x3e: {  	_ = 	snop  }
0x3f: {  	[hbm4b:s5+s2] =	stream.linear.scatter [tilespmem:s2], [sflag:$0x1], $0x10000, $0x38;
	[tilespmem:$0x10000] =	vst v63  }
0x40: {  	_ = 	snop  }
0x41: {  	[hbm4b:s6+s2] =	stream.linear.scatter [tilespmem:s2], [sflag:$0x1], $0x10000, $0x38;
	[tilespmem:$0x10000] =	vst v63  }
0x42: {  	_ =	swait.ge [sflag:s8], $0x10000  }
0x43: {  	[sflag:s8] =	ssyncset.done $0x0  }
0x44: {  	[sflag:s8] =	ssyncadd.s32 $0xFFFF0000  }
0x45: {  	_ =	swait.ge [sflag:s8], $0x10000  }
0x46: {  	[sflag:s8] =	ssyncset.done $0x0  }
0x47: {  	s9 =	sadd.s32 $0x1, s9;
	[sflag:s8] =	ssyncadd.s32 $0xFFFF0000  }
0x48: {  	p0 =	sne.s32 s9, s7;
	_ =	swait.ge [sflag:s8], $0x10000  }
.Ltmp1:
0x49: {  	[sflag:s8] =	ssyncset.done $0x0;
	(pc) =	sbr.rel @p0 .LBB2_1-.Ltmp1, $4  }
0x4a: {  	[sflag:s8] =	ssyncadd.s32 $0xFFFF0000  }
0x4b: {  	_ =	swait.ge [sflag:s8], $0x10000  }
0x4c: {  	[sflag:s8] =	ssyncset.done $0x0  }
0x4d: {  	[sflag:s8] =	ssyncadd.s32 $0xFFFF0000  }
0x4e: {  	_ =	sfence.sel $0x180000  }
0x4f: {  	[bflag:$0x0] =	sbarrier.arrive $0xFFFF  }
0x50: {  	p0 =	sne.s32 s1, $0x0;
	_ =	strace $0x90000047  }
0x51: {  	s0 =	sadd.s32 @!p0 $0x100000, s0;
	[bflag:$0x2] =	sbarrier.arrive $0xFFFF  }
0x52: {  	[sflag:s0] =	ssyncadd.tile.s32 @!p0 $0x1;
	_ =	shalt  }
.Lfunc_end2:
_tile_overlayer_lowered:
.L_overlay_start_2:
0x53: {  	(tag) =	ssettag $0x2  }
0x54: {  	s0 =	rddreg [dreg:$0x0];
	s2 =	stileid.u32  }
0x55: {  	s1 =	rddreg [dreg:$0x1];
	p0 =	sne.s32 s2, $0x0  }
0x56: {  	s3 =	rddreg [dreg:$0x2];
	[bflag:$0x3] =	sbarrier.arrive $0xFFFF;
	s2 =	simm.s32 @!p0 $0x1C02  }
0x57: {  	[timem:s3], [sflag:s2] =	dma.local @!p0 [hbm:s0], s1  }
0x58: {  	s0 =	simm.s32 @!p0 $0x2  }
0x59: {  	_ =	swait.ge @!p0 [sflag:s0], s1  }
0x5a: {  	s1 =	ssub.s32 @!p0 $0x0, s1;
	[sflag:s0] =	ssyncset.done @!p0 $0x0  }
0x5b: {  	[sflag:s0] =	ssyncadd.s32 @!p0 s1  }
0x5c: {  	[bflag:$0x3] =	sbarrier.arrive $0xFFFF  }
0x5d: {  	_ =	shalt  }

// kernel: kernel.8.cloned.1.call-start
scs
__scs_entry_jumppad:
0x0: {  	(pc) =	sbr.rel $0x88, $3  }
0x1: {  	(tag) =	ssettag $0x0;
	lr =	simm.s32 $0x1  }
0x2: {  	[smem:$0x3F9F] =	sst lr;
	_ =	strace $0xD0000000  }
0x3: {  	_ = 	snop  }
0x4: {  	_ = 	snop  }
0x5: {  	_ = 	snop  }
0x6: {  	_ = 	snop  }
0x7: {  	_ = 	snop  }
__scs_overlays_trampoline_lowered:
0x8: {  	[smem:$0x3FAE] =	sst s0  }
0x9: {  	[smem:$0x3FAF] =	sst s1  }
0xa: {  	[smem:$0x3FB0] =	sst s2  }
0xb: {  	[smem:$0x3FB1] =	sst s3  }
0xc: {  	[smem:$0x3FB2] =	sst s4  }
0xd: {  	[smem:$0x3FB3] =	sst s5  }
0xe: {  	[smem:$0x3FB4] =	sst s6  }
0xf: {  	[smem:$0x3FB5] =	sst s7  }
0x10: {  	[smem:$0x3FB6] =	sst s8  }
0x11: {  	[smem:$0x3FB7] =	sst s9;
	s0 =	simm.s32 @!p0 $0x0  }
0x12: {  	s1 =	sld [smem:$0x3F9D];
	s0 =	simm.s32 @p0 $0x1  }
0x13: {  	[smem:$0x3FB8] =	sst s0;
	s0 =	simm.s32 @!p1 $0x0  }
0x14: {  	s2 =	sld [smem:$0x3F9C];
	s0 =	simm.s32 @p1 $0x1  }
0x15: {  	[smem:$0x3FB9] =	sst s0;
	s0 =	simm.s32 @!p2 $0x0  }
0x16: {  	s3 =	sld [smem:$0x3FDB];
	s0 =	simm.s32 @p2 $0x1  }
0x17: {  	s4 =	simm.s32 $0x1BF5;
	[smem:$0x3FBB] =	sst s0  }
0x18: {  	s0 =	sld [smem:$0x3F9E];
	_ =	swait.ge [sflag:s4], $0x0  }
0x19: {  	s7 =	sld [smem:$0x3F9F]  }
0x1a: {  	s8 =	sadd.s32 $0xFFFFE003, lr  }
0x1b: {  	s9 =	sadd.s32 $0xFFFFFEF7, lr;
	s5 =	simm.s32 $0xFFFFFFFF;
	p2 =	slt.u32 s8, $0xFFFFF086  }
0x1c: {  	p1 =	slt.u32 s9, $0xF7A;
	s5 =	simm.s32 @!p2 $0x0  }
0x1d: {  	s5 =	simm.s32 @p1 $0x1;
	p0 =	seq.s32 s7, s2  }
0x1e: {  	s7 =	smul.u32 @!p0 $0xF7A, s2;
	p2 =	seq.s32 @!p0 s5, $0x0  }
0x1f: {  	s9 =	smul.u32 $0xF7A, s1;
	s8 =	simm.s32 @!p0 $0x1BF5;
	p2 =	por !p2, p0  }
0x20: {  	[sflag:s8] =	ssyncset.s32 @!p0 $0xFFFFF086;
	s6 =	sadd.s32 @!p0 s3, s7;
	s7 =	simm.s32 @!p0 $0x108  }
0x21: {  	s3 =	sadd.s32 s3, s9;
	s6 =	sadd.s32 @!p0 $0x88, s6;
	s7 =	simm.s32 @p2 $0x1082  }
0x22: {  	[simem:s7], [sflag:s8] =	dma.local @!p0 [hbm:s6], $0xF7A  }
0x23: {  	s9 =	sor.u32 $0xD0000000, s2;
	s6 =	simm.s32 $0x108;
	_ =	swait.ge @!p0 [sflag:s8], $0x0  }
0x24: {  	s3 =	sadd.s32 $0x88, s3;
	s6 =	simm.s32 @!p1 $0x1082;
	[sflag:s4] =	ssyncset.s32 $0xFFFFF086  }
0x25: {  	[simem:s6], [sflag:s4] =	dma.local [hbm:s3], $0xF7A  }
0x26: {  	[smem:$0x3F9F] =	sst s1;
	(tag) =	ssettag s2;
	_ =	strace s9  }
0x27: {  	s1 =	sld [smem:$0x3FAF]  }
0x28: {  	s2 =	sld [smem:$0x3FB0]  }
0x29: {  	s4 =	sld [smem:$0x3FB2]  }
0x2a: {  	p0 =	seq.s32 s5, $0x0;
	s5 =	sld [smem:$0x3FB3]  }
0x2b: {  	s6 =	sld [smem:$0x3FB4]  }
0x2c: {  	s7 =	sld [smem:$0x3FB5]  }
0x2d: {  	s3 =	simm.s32 $0x108;
	s8 =	sld [smem:$0x3FB6]  }
0x2e: {  	s3 =	simm.s32 @!p0 $0x1082;
	s9 =	sld [smem:$0x3FB7]  }
0x2f: {  	lr =	sadd.s32 s0, s3;
	s0 =	sld [smem:$0x3FAE]  }
0x30: {  	s3 =	sld [smem:$0x3FB1]  }
0x31: {  	[smem:$0x3FBA] =	sst s10  }
0x32: {  	s10 =	sld [smem:$0x3FB8];
	_ =	sdelay $0x3  }
0x33: {  	p0 =	seq.s32 s10, $0x1;
	s10 =	sld [smem:$0x3FBA];
	_ =	sdelay $0x3  }
0x34: {  	[smem:$0x3FBA] =	sst s10  }
0x35: {  	s10 =	sld [smem:$0x3FB9];
	_ =	sdelay $0x3  }
0x36: {  	p1 =	seq.s32 s10, $0x1;
	s10 =	sld [smem:$0x3FBA];
	_ =	sdelay $0x3  }
0x37: {  	[smem:$0x3FBA] =	sst s10  }
0x38: {  	s10 =	sld [smem:$0x3FBB]  }
0x39: {  	_ = 	snop;
	(pc) =	sbr.ind lr, $3  }
0x3a: {  	_ = 	snop  }
0x3b: {  	_ = 	snop  }
0x3c: {  	p2 =	seq.s32 s10, $0x1;
	s10 =	sld [smem:$0x3FBA]  }
0x3d: {  	_ =	shalt  }
0x3e: {  	_ =	shalt  }
0x3f: {  	_ =	shalt  }
0x40: {  	_ =	shalt  }
0x41: {  	_ =	shalt  }
0x42: {  	_ =	shalt  }
0x43: {  	_ =	shalt  }
0x44: {  	_ =	shalt  }
0x45: {  	_ =	shalt  }
0x46: {  	_ =	shalt  }
0x47: {  	_ =	shalt  }
0x48: {  	_ =	shalt  }
0x49: {  	_ =	shalt  }
0x4a: {  	_ =	shalt  }
0x4b: {  	_ =	shalt  }
0x4c: {  	_ =	shalt  }
0x4d: {  	_ =	shalt  }
0x4e: {  	_ =	shalt  }
0x4f: {  	_ =	shalt  }
0x50: {  	_ =	shalt  }
0x51: {  	_ =	shalt  }
0x52: {  	_ =	shalt  }
0x53: {  	_ =	shalt  }
0x54: {  	_ =	shalt  }
0x55: {  	_ =	shalt  }
0x56: {  	_ =	shalt  }
0x57: {  	_ =	shalt  }
0x58: {  	_ =	shalt  }
0x59: {  	_ =	shalt  }
0x5a: {  	_ =	shalt  }
0x5b: {  	_ =	shalt  }
0x5c: {  	_ =	shalt  }
0x5d: {  	_ =	shalt  }
0x5e: {  	_ =	shalt  }
0x5f: {  	_ =	shalt  }
0x60: {  	_ =	shalt  }
0x61: {  	_ =	shalt  }
0x62: {  	_ =	shalt  }
0x63: {  	_ =	shalt  }
0x64: {  	_ =	shalt  }
0x65: {  	_ =	shalt  }
0x66: {  	_ =	shalt  }
0x67: {  	_ =	shalt  }
0x68: {  	_ =	shalt  }
0x69: {  	_ =	shalt  }
0x6a: {  	_ =	shalt  }
0x6b: {  	_ =	shalt  }
0x6c: {  	_ =	shalt  }
0x6d: {  	_ =	shalt  }
0x6e: {  	_ =	shalt  }
0x6f: {  	_ =	shalt  }
0x70: {  	_ =	shalt  }
0x71: {  	_ =	shalt  }
0x72: {  	_ =	shalt  }
0x73: {  	_ =	shalt  }
0x74: {  	_ =	shalt  }
0x75: {  	_ =	shalt  }
0x76: {  	_ =	shalt  }
0x77: {  	_ =	shalt  }
0x78: {  	_ =	shalt  }
0x79: {  	_ =	shalt  }
0x7a: {  	_ =	shalt  }
0x7b: {  	_ =	shalt  }
0x7c: {  	_ =	shalt  }
0x7d: {  	_ =	shalt  }
0x7e: {  	_ =	shalt  }
0x7f: {  	_ =	shalt  }
0x80: {  	_ =	shalt  }
0x81: {  	_ =	shalt  }
0x82: {  	_ =	shalt  }
0x83: {  	_ =	shalt  }
0x84: {  	_ =	shalt  }
0x85: {  	_ =	shalt  }
0x86: {  	_ =	shalt  }
0x87: {  	_ =	shalt  }
.Lfunc_end0:
.L_simem_size_0:
called_computation.1_lowered:
.L_overlay_start_0:
0x88: {  	s2 =	sld [smem:$0x3FD9]  }
0x89: {  	s3 =	sld [smem:$0x3FFE];
	_ =	sdelay $0x1  }
0x8a: {  	s1 =	srdreg.scid  }
0x8b: {  	s0 =	sand.u32 $0x1, s1  }
0x8c: {  	s14 =	sshll.u32 s0, $0xA;
	s2 =	sadd.s32 s3, s2  }
0x8d: {  	s2 =	sadd.s32 s2, s14  }
0x8e: {  	[smem:$0x3FC6] =	sst s2  }
0x8f: {  	_ = 	snop  }
0x90: {  	s2 =	sld [smem:$0x3FD0];
	_ =	sdelay $0x2  }
0x91: {  	s15 =	simm.s32 $0xA;
	s4 =	simm.s32 $0x10  }
0x92: {  	[smem:s4], [sflag:s15] =	dma.local [hbm:s2], $0x1  }
0x93: {  	_ =	swait.eq [sflag:s15], $0x1  }
0x94: {  	[sflag:s15] =	ssyncset.done $0x0  }
0x95: {  	[sflag:s15] =	ssyncadd.s32 $0xFFFFFFFF  }
0x96: {  	s16 =	sld [smem:$0x11];
	(tm) =	ssettm $0x1  }
0x97: {  	s17 =	sld [smem:$0x3FFB];
	_ =	sdelay $0x3  }
0x98: {  	_ =	strace s17  }
0x99: {  	s3 =	sld [smem:$0x3FFC];
	_ =	sdelay $0x3  }
0x9a: {  	_ =	strace s3  }
0x9b: {  	s3 =	sld [smem:$0x3FFD];
	_ =	sdelay $0x3  }
0x9c: {  	_ =	strace s3  }
0x9d: {  	_ =	strace $0x8FFFFFFF  }
0x9e: {  	s18 =	sld [smem:$0x3FDB];
	_ =	sdelay $0x1  }
0x9f: {  	s19 =	simm.s32 $_scs_section_size  }
0xa0: {  	s5 =	simm.s32 $_size__tile_overlayer_lowered;
	s6 =	simm.s32 $_tile_overlayer_lowered  }
0xa1: {  	s22 =	simm.s32 $0x1BFF;
	s21 =	sshll.u32 s6, $0x1;
	s3 =	sadd.s32 s19, s18  }
0xa2: {  	s7 =	simm.s32 $0x0;
	s20 =	sshll.u32 s5, $0x1;
	s5 =	sadd.s32 s21, s3  }
0xa3: {  	[timem:s7], [sflag:s22] =	dma.local [hbm:s5], s20  }
0xa4: {  	_ =	swait.ge [sflag:s22], s20  }
0xa5: {  	s4 =	ssub.s32 $0x0, s20;
	[sflag:s22] =	ssyncset.done $0x0  }
0xa6: {  	[sflag:s22] =	ssyncadd.s32 s4;
	_ =	sdelay $0x1  }
0xa7: {  	s23 =	simm.s32 $0x1B8B  }
0xa8: {  	_ =	swait.ge [sflag:s23], $0x1  }
0xa9: {  	[sflag:s23] =	ssyncset.done $0x0  }
0xaa: {  	s25 =	simm.s32 $0x1B8E;
	s24 =	sld [smem:$0x3FFE];
	[sflag:s23] =	ssyncadd.s32 $0xFFFFFFFF  }
0xab: {  	s26 =	simm.s32 $execute0_lowered;
	[smem:$0x3FD2] =	sst s25  }
0xac: {  	s5 =	sshll.u32 s26, $0x1;
	_ =	strace $0x80000049;
	[dreg:$0x1] =	wrdreg $0xFFFFFFFF  }
0xad: {  	s28 =	simm.s32 $_size_execute0_lowered;
	s3 =	sadd.s32 s3, s5;
	[dreg:$0x0] =	wrdreg $0x0  }
0xae: {  	s5 =	sshll.u32 s28, $0x1;
	[dreg:$0x2] =	wrdreg s3  }
0xaf: {  	[dreg:$0x3] =	wrdreg s5  }
0xb0: {  	[dreg:$0x4] =	wrdreg $0xC0  }
0xb1: {  	_ =	task [dreg:s7], $0x5FFFF  }
0xb2: {  	[dreg:$0x1] =	wrdreg $0xFFFFFFFF  }
0xb3: {  	[dreg:$0x0] =	wrdreg $0x60  }
0xb4: {  	[dreg:$0x2] =	wrdreg s24  }
0xb5: {  	[dreg:$0x3] =	wrdreg s16  }
0xb6: {  	[dreg:$0x4] =	wrdreg $0x9  }
0xb7: {  	_ =	task.clear_ibuf [dreg:s7], $0x5FFFF;
	_ =	strace $0x90000049  }
0xb8: {  	s29 =	simm.s32 $0x9;
	_ =	strace $0x8000004B  }
0xb9: {  	_ =	swait.ge [sflag:s29], $0x1  }
0xba: {  	[sflag:s29] =	ssyncadd.s32 $0xFFFFFFFF  }
0xbb: {  	_ =	strace $0x9000004B  }
0xbc: {  	_ =	sfence  }
0xbd: {  	s30 =	sld [smem:$0x0];
	_ =	sdelay $0x2  }
0xbe: {  	s31 =	sshll.u32 s1, $0xD;
	s1 =	sshrl.u32 s1, $0x2  }
0xbf: {  	s3 =	sand.u32 $0x4000, s31;
	s1 =	sadd.s32 s1, s30  }
0xc0: {  	s0 =	sor.u32 s3, s0;
	s1 =	sshll.u32 s1, $0x11  }
0xc1: {  	s0 =	sor.u32 s1, s0  }
0xc2: {  	s0 =	sadd.s32 $0x8F2B, s0  }
0xc3: {  	[sflag:s0] =	ssyncadd.remote.s32 $0x1  }
0xc4: {  	_ =	sfence.sel $0xFFFF  }
0xc5: {  	[dreg:$0x0] =	wrdreg $0xFFFFFFFF;
	(pc) =	sbr.abs _section_cstart, $3  }
0xc6: {  	[dreg:$0x1] =	wrdreg $0xFFFFFFFF  }
0xc7: {  	_ =	task.clear_ibuf [dreg:s7], $0x2FFFF;
	_ =	strace $0x9FFFFFFF  }
0xc8: {  	(tm) =	ssettm $0x7FFFFFFF  }
0xc9: {  	_ =	shalt  }
tec
execute0_lowered:
.L_overlay_start_1:
0x0: {  	(tag) =	ssettag $0x1  }
0x1: {  	s0 =	rddreg [dreg:$0x0]  }
0x2: {  	s2 =	rddreg [dreg:$0x1]  }
0x3: {  	s3 =	srdreg.scid;
	s1 =	stileid.u32;
	s7 =	simm.s32 $0x2  }
0x4: {  	s8 =	simm.s32 $0x80;
	s9 =	simm.s32 $0x180;
	s10 =	simm.s32 $0x980  }
0x5: {  	s11 =	simm.s32 $0x1180;
	s12 =	simm.s32 $0x1980;
	s13 =	simm.s32 $0x2180  }
0x6: {  	s14 =	simm.s32 $0x2980;
	s15 =	simm.s32 $0x3180;
	s16 =	simm.s32 $0x3980  }
0x7: {  	s17 =	simm.s32 $0x4180;
	s18 =	simm.s32 $0x4980;
	s19 =	simm.s32 $0x5180  }
0x8: {  	s20 =	simm.s32 $0x5980;
	s21 =	simm.s32 $0x6180;
	s22 =	simm.s32 $0x6980  }
0x9: {  	s23 =	simm.s32 $0x7180;
	s24 =	simm.s32 $0x7980;
	s25 =	simm.s32 $0x1  }
0xa: {  	s26 =	simm.s32 $0x0;
	s4 =	sand.u32 $0x1, s3;
	s3 =	simm.s32 $0x0  }
0xb: {  	s5 =	sshll.u32 s1, $0x5;
	s6 =	sshll.u32 s4, $0x4;
	s4 =	ssub.s32 $0x2, s4  }
0xc: {  	v5 =	vlaneseq.u32;
	v0 =	vimm.f32 $0.0e+00;
	vm0 =	vmmov $0xffff;
	[smem:$0x7FF] =	sst s3;
	s5 =	sor.u32 s6, s5;
	s30 =	sshrl.u32 s4, $0x1  }
0xd: {  	v1 =	vand.u32 $0x7, v5;
	v2 =	vmul.u32 $0x100, v5;
	v4 =	vshrl.u32 v5, $0x3;
	_ =	strace $0x8000004A;
	s0 =	sadd.s32 s5, s0;
	s31 =	ssub.s32 s4, s30  }
0xe: {  	v5 =	vor.u32 $0x8, v5;
	v3 =	vmul.u32 $0x80, v1;
	v4 =	vmul.u32 $0x8, v4;
	s4 =	sadd.s32 $0xC00, s0;
	s5 =	sadd.s32 $0xE00, s0;
	s6 =	smax.u32 s31, $0x1  }
.LBB2_1:
0xf: {  	[tilespmem:s3], [sflag:$0x2] =	stream.linear.gather [hbm4b:s4+s3], $0x80, $0x38;
	[tilespmem:$0x8180] =	vst v63  }
0x10: {  	_ =	swait.ge [sflag:s7], $0x80  }
0x11: {  	[sflag:s7] =	ssyncset.done $0x0  }
0x12: {  	[sflag:s7] =	ssyncadd.s32 $0xFFFFFF80  }
0x13: {  	[tilespmem:s8], [sflag:$0x2] =	stream.linear.gather [hbm4b:s5+s3], $0x80, $0x38;
	[tilespmem:$0x8180] =	vst v63  }
0x14: {  	_ =	swait.ge [sflag:s7], $0x80  }
0x15: {  	s0 =	sand.u32 $0x7800, s3;
	s28 =	sand.u32 $0x380, s3;
	[sflag:s7] =	ssyncset.done $0x0  }
0x16: {  	s28 =	sor.u32 s28, s0;
	[sflag:s7] =	ssyncadd.s32 $0xFFFFFF80  }
0x17: {  	[tilespmem:s28+$0x5F0] =	vst v0  }
0x18: {  	[tilespmem:s28+$0x180] =	vst v0  }
0x19: {  	[tilespmem:s28+$0x190] =	vst v0  }
0x1a: {  	[tilespmem:s28+$0x1A0] =	vst v0  }
0x1b: {  	[tilespmem:s28+$0x1B0] =	vst v0  }
0x1c: {  	[tilespmem:s28+$0x1C0] =	vst v0  }
0x1d: {  	[tilespmem:s28+$0x1D0] =	vst v0  }
0x1e: {  	[tilespmem:s28+$0x1E0] =	vst v0  }
0x1f: {  	[tilespmem:s28+$0x1F0] =	vst v0  }
0x20: {  	[tilespmem:s28+$0x580] =	vst v0  }
0x21: {  	[tilespmem:s28+$0x590] =	vst v0  }
0x22: {  	[tilespmem:s28+$0x5A0] =	vst v0  }
0x23: {  	[tilespmem:s28+$0x5B0] =	vst v0  }
0x24: {  	s29 =	simm.s32 $0x80;
	s0 =	simm.s32 $0x100;
	[tilespmem:s28+$0x5C0] =	vst v0  }
0x25: {  	s30 =	simm.s32 $0x200;
	s31 =	sand.u32 $0x380, s29;
	s0 =	sand.u32 $0x7800, s0;
	[tilespmem:s28+$0x5D0] =	vst v0  }
.LBB2_2:
0x26: {  	p0 =	sne.s32 s30, $0x7F00;
	[tilespmem:s28+$0x5E0] =	vst v0;
	s28 =	sor.u32 s31, s0  }
0x27: {  	[tilespmem:s28+$0x5F0] =	vst v0  }
0x28: {  	[tilespmem:s28+$0x180] =	vst v0  }
0x29: {  	[tilespmem:s28+$0x190] =	vst v0  }
0x2a: {  	[tilespmem:s28+$0x1A0] =	vst v0  }
0x2b: {  	[tilespmem:s28+$0x1B0] =	vst v0  }
0x2c: {  	[tilespmem:s28+$0x1C0] =	vst v0  }
0x2d: {  	[tilespmem:s28+$0x1D0] =	vst v0  }
0x2e: {  	[tilespmem:s28+$0x1E0] =	vst v0  }
0x2f: {  	[tilespmem:s28+$0x1F0] =	vst v0  }
0x30: {  	[tilespmem:s28+$0x580] =	vst v0  }
.Ltmp0:
0x31: {  	[tilespmem:s28+$0x590] =	vst v0;
	(pc) =	sbr.rel @p0 .LBB2_2-.Ltmp0, $4  }
0x32: {  	[tilespmem:s28+$0x5A0] =	vst v0  }
0x33: {  	[tilespmem:s28+$0x5B0] =	vst v0  }
0x34: {  	s29 =	sadd.s32 $0x80, s29;
	[tilespmem:s28+$0x5C0] =	vst v0  }
0x35: {  	s0 =	sand.u32 $0x7800, s30;
	s30 =	sadd.s32 $0x100, s30;
	s31 =	sand.u32 $0x380, s29;
	[tilespmem:s28+$0x5D0] =	vst v0  }
0x36: {  	s0 =	sor.u32 s31, s0;
	[tilespmem:s28+$0x5E0] =	vst v0  }
0x37: {  	[tilespmem:s0+$0x5F0] =	vst v0  }
0x38: {  	[tilespmem:s0+$0x180] =	vst v0  }
0x39: {  	[tilespmem:s0+$0x190] =	vst v0  }
0x3a: {  	[tilespmem:s0+$0x1A0] =	vst v0  }
0x3b: {  	[tilespmem:s0+$0x1B0] =	vst v0  }
0x3c: {  	[tilespmem:s0+$0x1C0] =	vst v0  }
0x3d: {  	[tilespmem:s0+$0x1D0] =	vst v0  }
0x3e: {  	[tilespmem:s0+$0x1E0] =	vst v0  }
0x3f: {  	[tilespmem:s0+$0x1F0] =	vst v0  }
0x40: {  	[tilespmem:s0+$0x580] =	vst v0  }
0x41: {  	[tilespmem:s0+$0x590] =	vst v0  }
0x42: {  	[tilespmem:s0+$0x5A0] =	vst v0  }
0x43: {  	[tilespmem:s0+$0x5B0] =	vst v0  }
0x44: {  	[tilespmem:s0+$0x5C0] =	vst v0  }
0x45: {  	[tilespmem:s0+$0x5D0] =	vst v0  }
0x46: {  	[tilespmem:s0+$0x5E0] =	vst v0;
	s0 =	simm.s32 $0x0  }
0x47: {  	v6 =	vld [tilespmem:s0+$0x0];
	_ =	sdelay $0x1  }
0x48: {  	v7 =	vmov s0  }
0x49: {  	v7 =	vshll.u32 v7, $0x8  }
0x4a: {  	v7 =	vor.u32 v2, v7  }
0x4b: {  	v7 =	vand.u32 $0x7800, v7;
	v8 =	vand.u32 $0x7F, v6;
	v9 =	vshll.u32 v6, $0x3  }
0x4c: {  	s28 =	simm.s32 $0x100;
	v6 =	vshra.s32 v6, $0x8;
	v9 =	vand.u32 $0x400, v9;
	v7 =	vor.u32 v8, v7  }
0x4d: {  	s29 =	simm.s32 $0x80;
	[tilespmem:s28+$0x0] =	vst v6;
	v6 =	vor.u32 v9, v7  }
0x4e: {  	v7 =	vld [tilespmem:s29+$0x0];
	v6 =	vor.u32 v3, v6;
	_ =	sdelay $0x4  }
0x4f: {  	s30 =	simm.s32 $0x10;
	[tilespmem:v6+s9+$0x0] =	vst.idx.msk $0xffff, v7  }
0x50: {  	s31 =	simm.s32 $0x20;
	s0 =	simm.s32 $0x10;
	v6 =	vld [tilespmem:s30+$0x0]  }
.LBB2_4:
0x51: {  	p0 =	sne.s32 s31, $0x70  }
0x52: {  	v7 =	vmov s30;
	s30 =	smov.u32 s31  }
0x53: {  	v7 =	vshll.u32 v7, $0x8  }
0x54: {  	v7 =	vor.u32 v2, v7  }
0x55: {  	v7 =	vand.u32 $0x7800, v7;
	v8 =	vand.u32 $0x7F, v6;
	v9 =	vshll.u32 v6, $0x3  }
0x56: {  	s28 =	sadd.s32 $0x10, s28;
	v6 =	vshra.s32 v6, $0x8;
	v9 =	vand.u32 $0x400, v9;
	v7 =	vor.u32 v8, v7  }
0x57: {  	s29 =	sadd.s32 $0x10, s29;
	[tilespmem:s28+$0x0] =	vst v6;
	v6 =	vor.u32 v9, v7  }
0x58: {  	v7 =	vld [tilespmem:s29+$0x0];
	v6 =	vor.u32 v3, v6;
	_ =	sdelay $0x1  }
.Ltmp1:
0x59: {  	(pc) =	sbr.rel @p0 .LBB2_4-.Ltmp1, $3  }
0x5a: {  	_ =	sdelay $0x1  }
0x5b: {  	s0 =	sadd.s32 $0x10, s0;
	[tilespmem:v6+s9+$0x0] =	vst.idx.msk $0xffff, v7  }
0x5c: {  	s31 =	sadd.s32 $0x10, s31;
	v6 =	vld [tilespmem:s0+$0x0]  }
0x5d: {  	_ = 	snop  }
0x5e: {  	v7 =	vmov s30  }
0x5f: {  	v7 =	vshll.u32 v7, $0x8  }
0x60: {  	v7 =	vor.u32 v2, v7  }
0x61: {  	v7 =	vand.u32 $0x7800, v7;
	v8 =	vand.u32 $0x7F, v6;
	v9 =	vshll.u32 v6, $0x3  }
0x62: {  	s0 =	sadd.s32 $0x10, s28;
	v6 =	vshra.s32 v6, $0x8;
	v9 =	vand.u32 $0x400, v9;
	v7 =	vor.u32 v8, v7  }
0x63: {  	s31 =	sadd.s32 $0x10, s29;
	[tilespmem:s0+$0x0] =	vst v6;
	v6 =	vor.u32 v9, v7  }
0x64: {  	v7 =	vld [tilespmem:s31+$0x0];
	v6 =	vor.u32 v3, v6;
	_ =	sdelay $0x4  }
0x65: {  	[tilespmem:v6+s9+$0x0] =	vst.idx.msk $0xffff, v7  }
0x66: {  	v6 =	vld [tilespmem:$0x100];
	_ =	sdelay $0x4  }
0x67: {  	v7 =	vshll.u32 v6, $0x1  }
0x68: {  	v6 =	vand.u32 $0x7, v6;
	v7 =	vand.u32 $0xFFFFFFF0, v7  }
0x69: {  	v6 =	vor.u32 v6, v7  }
0x6a: {  	v7 =	vperm.xlane v6, v1;
	_ =	sdelay $0x1  }
0x6b: {  	v6 =	vperm.xlane v6, v5;
	v7 =	vadd.s32 v4, v7;
	_ =	sdelay $0x1  }
0x6c: {  	v6 =	vadd.s32 v4, v6;
	_ =	sdelay $0x2  }
0x6d: {  	[hbm4b:s2+s3] =	stream.indirect_vreg.scatter [tilespmem:s9], [sflag:$0x1], $0x80, v7, vm0, $0xb8;
	[tilespmem:$0x8180] =	vst v63  }
0x6e: {  	_ = 	snop  }
0x6f: {  	[hbm4b:s2+s3] =	stream.indirect_vreg.scatter [tilespmem:s10], [sflag:$0x1], $0x80, v6, vm0, $0xb8;
	[tilespmem:$0x8180] =	vst v63  }
0x70: {  	v6 =	vld [tilespmem:$0x110];
	_ =	sdelay $0x4  }
0x71: {  	v7 =	vshll.u32 v6, $0x1  }
0x72: {  	v6 =	vand.u32 $0x7, v6;
	v7 =	vand.u32 $0xFFFFFFF0, v7  }
0x73: {  	v6 =	vor.u32 v6, v7  }
0x74: {  	v7 =	vperm.xlane v6, v1;
	_ =	sdelay $0x1  }
0x75: {  	v6 =	vperm.xlane v6, v5;
	v7 =	vadd.s32 v4, v7;
	_ =	sdelay $0x1  }
0x76: {  	v6 =	vadd.s32 v4, v6;
	_ =	sdelay $0x2  }
0x77: {  	[hbm4b:s2+s3] =	stream.indirect_vreg.scatter [tilespmem:s11], [sflag:$0x1], $0x80, v7, vm0, $0xb8;
	[tilespmem:$0x8180] =	vst v63  }
0x78: {  	_ = 	snop  }
0x79: {  	[hbm4b:s2+s3] =	stream.indirect_vreg.scatter [tilespmem:s12], [sflag:$0x1], $0x80, v6, vm0, $0xb8;
	[tilespmem:$0x8180] =	vst v63  }
0x7a: {  	v6 =	vld [tilespmem:$0x120];
	_ =	sdelay $0x4  }
0x7b: {  	v7 =	vshll.u32 v6, $0x1  }
0x7c: {  	v6 =	vand.u32 $0x7, v6;
	v7 =	vand.u32 $0xFFFFFFF0, v7  }
0x7d: {  	v6 =	vor.u32 v6, v7  }
0x7e: {  	v7 =	vperm.xlane v6, v1;
	_ =	sdelay $0x1  }
0x7f: {  	v6 =	vperm.xlane v6, v5;
	v7 =	vadd.s32 v4, v7;
	_ =	sdelay $0x1  }
0x80: {  	v6 =	vadd.s32 v4, v6;
	_ =	sdelay $0x2  }
0x81: {  	[hbm4b:s2+s3] =	stream.indirect_vreg.scatter [tilespmem:s13], [sflag:$0x1], $0x80, v7, vm0, $0xb8;
	[tilespmem:$0x8180] =	vst v63  }
0x82: {  	_ = 	snop  }
0x83: {  	[hbm4b:s2+s3] =	stream.indirect_vreg.scatter [tilespmem:s14], [sflag:$0x1], $0x80, v6, vm0, $0xb8;
	[tilespmem:$0x8180] =	vst v63  }
0x84: {  	v6 =	vld [tilespmem:$0x130];
	_ =	sdelay $0x4  }
0x85: {  	v7 =	vshll.u32 v6, $0x1  }
0x86: {  	v6 =	vand.u32 $0x7, v6;
	v7 =	vand.u32 $0xFFFFFFF0, v7  }
0x87: {  	v6 =	vor.u32 v6, v7  }
0x88: {  	v7 =	vperm.xlane v6, v1;
	_ =	sdelay $0x1  }
0x89: {  	v6 =	vperm.xlane v6, v5;
	v7 =	vadd.s32 v4, v7;
	_ =	sdelay $0x1  }
0x8a: {  	v6 =	vadd.s32 v4, v6;
	_ =	sdelay $0x2  }
0x8b: {  	[hbm4b:s2+s3] =	stream.indirect_vreg.scatter [tilespmem:s15], [sflag:$0x1], $0x80, v7, vm0, $0xb8;
	[tilespmem:$0x8180] =	vst v63  }
0x8c: {  	_ = 	snop  }
0x8d: {  	[hbm4b:s2+s3] =	stream.indirect_vreg.scatter [tilespmem:s16], [sflag:$0x1], $0x80, v6, vm0, $0xb8;
	[tilespmem:$0x8180] =	vst v63  }
0x8e: {  	v6 =	vld [tilespmem:$0x140];
	_ =	sdelay $0x4  }
0x8f: {  	v7 =	vshll.u32 v6, $0x1  }
0x90: {  	v6 =	vand.u32 $0x7, v6;
	v7 =	vand.u32 $0xFFFFFFF0, v7  }
0x91: {  	v6 =	vor.u32 v6, v7  }
0x92: {  	v7 =	vperm.xlane v6, v1;
	_ =	sdelay $0x1  }
0x93: {  	v6 =	vperm.xlane v6, v5;
	v7 =	vadd.s32 v4, v7;
	_ =	sdelay $0x1  }
0x94: {  	v6 =	vadd.s32 v4, v6;
	_ =	sdelay $0x2  }
0x95: {  	[hbm4b:s2+s3] =	stream.indirect_vreg.scatter [tilespmem:s17], [sflag:$0x1], $0x80, v7, vm0, $0xb8;
	[tilespmem:$0x8180] =	vst v63  }
0x96: {  	_ = 	snop  }
0x97: {  	[hbm4b:s2+s3] =	stream.indirect_vreg.scatter [tilespmem:s18], [sflag:$0x1], $0x80, v6, vm0, $0xb8;
	[tilespmem:$0x8180] =	vst v63  }
0x98: {  	v6 =	vld [tilespmem:$0x150];
	_ =	sdelay $0x4  }
0x99: {  	v7 =	vshll.u32 v6, $0x1  }
0x9a: {  	v6 =	vand.u32 $0x7, v6;
	v7 =	vand.u32 $0xFFFFFFF0, v7  }
0x9b: {  	v6 =	vor.u32 v6, v7  }
0x9c: {  	v7 =	vperm.xlane v6, v1;
	_ =	sdelay $0x1  }
0x9d: {  	v6 =	vperm.xlane v6, v5;
	v7 =	vadd.s32 v4, v7;
	_ =	sdelay $0x1  }
0x9e: {  	v6 =	vadd.s32 v4, v6;
	_ =	sdelay $0x2  }
0x9f: {  	[hbm4b:s2+s3] =	stream.indirect_vreg.scatter [tilespmem:s19], [sflag:$0x1], $0x80, v7, vm0, $0xb8;
	[tilespmem:$0x8180] =	vst v63  }
0xa0: {  	_ = 	snop  }
0xa1: {  	[hbm4b:s2+s3] =	stream.indirect_vreg.scatter [tilespmem:s20], [sflag:$0x1], $0x80, v6, vm0, $0xb8;
	[tilespmem:$0x8180] =	vst v63  }
0xa2: {  	v6 =	vld [tilespmem:$0x160];
	_ =	sdelay $0x4  }
0xa3: {  	v7 =	vshll.u32 v6, $0x1  }
0xa4: {  	v6 =	vand.u32 $0x7, v6;
	v7 =	vand.u32 $0xFFFFFFF0, v7  }
0xa5: {  	v6 =	vor.u32 v6, v7  }
0xa6: {  	v7 =	vperm.xlane v6, v1;
	_ =	sdelay $0x1  }
0xa7: {  	v6 =	vperm.xlane v6, v5;
	v7 =	vadd.s32 v4, v7;
	_ =	sdelay $0x1  }
0xa8: {  	v6 =	vadd.s32 v4, v6;
	_ =	sdelay $0x2  }
0xa9: {  	[hbm4b:s2+s3] =	stream.indirect_vreg.scatter [tilespmem:s21], [sflag:$0x1], $0x80, v7, vm0, $0xb8;
	[tilespmem:$0x8180] =	vst v63  }
0xaa: {  	_ = 	snop  }
0xab: {  	[hbm4b:s2+s3] =	stream.indirect_vreg.scatter [tilespmem:s22], [sflag:$0x1], $0x80, v6, vm0, $0xb8;
	[tilespmem:$0x8180] =	vst v63  }
0xac: {  	v6 =	vld [tilespmem:$0x170];
	_ =	sdelay $0x4  }
0xad: {  	v7 =	vshll.u32 v6, $0x1  }
0xae: {  	v6 =	vand.u32 $0x7, v6;
	v7 =	vand.u32 $0xFFFFFFF0, v7  }
0xaf: {  	v6 =	vor.u32 v6, v7  }
0xb0: {  	v7 =	vperm.xlane v6, v1;
	_ =	sdelay $0x1  }
0xb1: {  	v6 =	vperm.xlane v6, v5;
	v7 =	vadd.s32 v4, v7;
	_ =	sdelay $0x1  }
0xb2: {  	v6 =	vadd.s32 v4, v6  }
0xb3: {  	s26 =	sadd.s32 $0x1, s26  }
0xb4: {  	p0 =	sne.s32 s26, s6  }
0xb5: {  	[hbm4b:s2+s3] =	stream.indirect_vreg.scatter [tilespmem:s23], [sflag:$0x1], $0x80, v7, vm0, $0xb8;
	[tilespmem:$0x8180] =	vst v63  }
.Ltmp2:
0xb6: {  	_ = 	snop;
	(pc) =	sbr.rel @p0 .LBB2_1-.Ltmp2, $4  }
0xb7: {  	[hbm4b:s2+s3] =	stream.indirect_vreg.scatter [tilespmem:s24], [sflag:$0x1], $0x80, v6, vm0, $0xb8;
	[tilespmem:$0x8180] =	vst v63  }
0xb8: {  	_ =	swait.ge [sflag:s25], $0x8000  }
0xb9: {  	[sflag:s25] =	ssyncset.done $0x0  }
0xba: {  	[sflag:s25] =	ssyncadd.s32 $0xFFFF8000  }
0xbb: {  	_ =	sfence.sel $0x180000  }
0xbc: {  	[bflag:$0x0] =	sbarrier.arrive $0xFFFF  }
0xbd: {  	_ =	strace $0x9000004A  }
0xbe: {  	[bflag:$0x2] =	sbarrier.arrive $0xFFFF  }
0xbf: {  	p0 =	sne.s32 s1, $0x0;
	s0 =	rddreg [dreg:$0x2]  }
0xc0: {  	s0 =	sadd.s32 @!p0 $0x100000, s0  }
0xc1: {  	[sflag:s0] =	ssyncadd.tile.s32 @!p0 $0x1;
	_ =	shalt  }
.Lfunc_end2:
_tile_overlayer_lowered:
.L_overlay_start_2:
0xc2: {  	(tag) =	ssettag $0x2  }
0xc3: {  	s0 =	rddreg [dreg:$0x0];
	s2 =	stileid.u32  }
0xc4: {  	s1 =	rddreg [dreg:$0x1];
	p0 =	sne.s32 s2, $0x0  }
0xc5: {  	s3 =	rddreg [dreg:$0x2];
	[bflag:$0x3] =	sbarrier.arrive $0xFFFF;
	s2 =	simm.s32 @!p0 $0x1C02  }
0xc6: {  	[timem:s3], [sflag:s2] =	dma.local @!p0 [hbm:s0], s1  }
0xc7: {  	s0 =	simm.s32 @!p0 $0x2  }
0xc8: {  	_ =	swait.ge @!p0 [sflag:s0], s1  }
0xc9: {  	s1 =	ssub.s32 @!p0 $0x0, s1;
	[sflag:s0] =	ssyncset.done @!p0 $0x0  }
0xca: {  	[sflag:s0] =	ssyncadd.s32 @!p0 s1  }
0xcb: {  	[bflag:$0x3] =	sbarrier.arrive $0xFFFF  }
0xcc: {  	_ =	shalt  }

</sc_bundles>
